<compile_context>
chip_gen: v7x
topology: tpu7x:2x2x1
jax: 0.10.2.dev20260603
libtpu: 0.0.44.dev20260713+nightly
codegen_flags: <defaults>
</compile_context>

<pallas_src>
import dataclasses
import functools

import jax
import jax.numpy as jnp
from jax import lax
from jax.experimental import pallas as pl
from jax.experimental.pallas import tpu as pltpu
from jax.experimental.pallas import tpu_sc as plsc

_N = 10000
_E = 320000
_D = 128
_R = 200
_NC = 2
_NS = 16
_NW = _NC * _NS
_CH = 64
_CPW0 = 256
_CPW1 = 64
_NCHUNK = _NS * (_CPW0 + _CPW1)
_IG = 8
_E_PAD = _NCHUNK * _CH
_NROWS = 10240
_RPT = _NROWS // _NS
_BN = 2000


def _idx_body(rel_ref, inv_ref, src_ref, ia_ref, ib_ref):
    inv = inv_ref[...]
    ia_ref[...] = inv * _R + rel_ref[...]
    ib_ref[...] = inv * _N + src_ref[...]


def _tab_body(x_ref, w_ref, btab_ref, self_ref):
    x = x_ref[...]
    for j in range(2):
        btab_ref[j] = jnp.dot(
            x, w_ref[:, j * _D:(j + 1) * _D], preferred_element_type=jnp.float32)
    self_ref[...] = jnp.dot(
        x, w_ref[:, 2 * _D:3 * _D], preferred_element_type=jnp.float32)


def _meta_body(m_ref, w_ref, b_ref, atab_ref, mnew_ref):
    m = m_ref[...]
    for j in range(2):
        atab_ref[j] = jnp.dot(
            m, w_ref[:, j * _D:(j + 1) * _D],
            preferred_element_type=jnp.float32) + b_ref[j]
    mnew_ref[...] = jnp.dot(
        m, w_ref[:, 2 * _D:3 * _D], preferred_element_type=jnp.float32) + b_ref[2]


def _comb_body(p_ref, c_ref, self_ref, b_ref, o_ref):
    s = p_ref[0] + p_ref[1]
    cnt = jnp.sum(c_ref[...], axis=1, keepdims=True)
    o_ref[...] = self_ref[...] + b_ref[...] + s / jnp.maximum(cnt, 1.0)


def _sc_edge_agg(a_tab, b_tab, ia, ib, dsts):
    mesh = plsc.VectorSubcoreMesh(core_axis_name="c", subcore_axis_name="s")
    cp = pltpu.CompilerParams()
    if "needs_layout_passes" in pltpu.CompilerParams.__dataclass_fields__:
        cp = dataclasses.replace(cp, needs_layout_passes=False)

    @functools.partial(
        pl.kernel,
        compiler_params=cp,
        out_type=(
            jax.ShapeDtypeStruct((_NC, _NS, _RPT, _D), jnp.float32),
            jax.ShapeDtypeStruct((_NC, _NS, _NROWS), jnp.float32),
        ),
        mesh=mesh,
        scratch_types=[
            pltpu.VMEM((_IG, _CH), jnp.int32),
            pltpu.VMEM((_IG, _CH), jnp.int32),
            pltpu.VMEM((_IG, _CH), jnp.int32),
        ] + [pltpu.VMEM((_CH, _D), jnp.float32)] * 4
          + [pltpu.VMEM((_NROWS,), jnp.float32),
             pltpu.VMEM_SHARED((_NROWS, _D), jnp.float32)]
          + [pltpu.SemaphoreType.DMA] * 8,
    )
    def edge_agg(a_hbm, b_hbm, ia_hbm, ib_hbm, dst_hbm, sums_out, cnt_out,
                 ia_v, ib_v, dst_v,
                 ra0, rb0, ra1, rb1,
                 cnt_v, acc_sh, *sems):
        c = lax.axis_index("c")
        s = lax.axis_index("s")
        base = s * _RPT
        cpw = jnp.where(c == 0, _CPW0, _CPW1)
        chunk0 = jnp.where(c == 0, s * _CPW0, _NS * _CPW0 + s * _CPW1)
        zeros16 = jnp.zeros((16,), jnp.float32)
        ones16 = jnp.full((16,), 1.0, jnp.float32)
        bufs = ((ra0, rb0), (ra1, rb1))
        rows = tuple(bufs[i] + tuple(sems[4 * i:4 * i + 4]) for i in range(2))

        def fire_gathers(j, slot):
            ra, rb, ga, gb = rows[slot][:4]
            pltpu.async_copy(a_hbm.at[ia_v.at[j]], ra, ga)
            pltpu.async_copy(b_hbm.at[ib_v.at[j]], rb, gb)

        def wait_gathers(j, slot):
            ra, rb, ga, gb = rows[slot][:4]
            pltpu.make_async_copy(a_hbm.at[ia_v.at[j]], ra, ga).wait()
            pltpu.make_async_copy(b_hbm.at[ib_v.at[j]], rb, gb).wait()

        def fire_scatters(j, slot):
            ra, rb = rows[slot][:2]
            sa, sb = rows[slot][4:]
            pltpu.async_copy(ra, acc_sh.at[dst_v.at[j]], sa, add=True)
            pltpu.async_copy(rb, acc_sh.at[dst_v.at[j]], sb, add=True)

        def wait_scatters(j, slot):
            ra, rb = rows[slot][:2]
            sa, sb = rows[slot][4:]
            pltpu.make_async_copy(ra, acc_sh.at[dst_v.at[j]], sa).wait()
            pltpu.make_async_copy(rb, acc_sh.at[dst_v.at[j]], sb).wait()

        def count(j):
            for k in range(_CH // 16):
                dstv = dst_v[j, pl.ds(k * 16, 16)]
                plsc.addupdate_scatter(cnt_v, [dstv], ones16)

        @pl.loop(0, _CH)
        def _zrow(r):
            @pl.loop(0, _D, step=16)
            def _zcol(k):
                ra0[r, pl.ds(k, 16)] = zeros16

        @pl.loop(0, _RPT, step=_CH)
        def _zacc(r0):
            pltpu.sync_copy(ra0, acc_sh.at[pl.ds(base + r0, _CH)])

        @pl.loop(0, _NROWS, step=16)
        def _zcnt(r0):
            cnt_v[pl.ds(r0, 16)] = zeros16

        plsc.subcore_barrier()

        @pl.loop(0, cpw, step=_IG)
        def _group(g):
            pltpu.sync_copy(ia_hbm.at[pl.ds(chunk0 + g, _IG)], ia_v)
            pltpu.sync_copy(ib_hbm.at[pl.ds(chunk0 + g, _IG)], ib_v)
            pltpu.sync_copy(dst_hbm.at[pl.ds(chunk0 + g, _IG)], dst_v)
            fire_gathers(0, 0)

            @pl.loop(0, _IG, step=2)
            def _pair(j):
                fire_gathers(j + 1, 1)
                count(j)
                count(j + 1)
                wait_gathers(j, 0)
                fire_scatters(j, 0)
                wait_gathers(j + 1, 1)
                fire_scatters(j + 1, 1)
                wait_scatters(j, 0)

                @pl.when(j + 2 < _IG)
                def _prefetch():
                    fire_gathers(j + 2, 0)

                wait_scatters(j + 1, 1)

        pltpu.sync_copy(cnt_v, cnt_out.at[c, s])
        plsc.subcore_barrier()
        pltpu.sync_copy(acc_sh.at[pl.ds(base, _RPT)], sums_out.at[c, s])

    return edge_agg(a_tab, b_tab, ia, ib, dsts)


def kernel(rel_emb, metarel_emb, edge_index, edge_rel, edge_inv,
           W_O_w, W_O_b, W_I_w, W_I_b, W_S_w, W_S_b, W_M_w, W_M_b):
    src = edge_index[0]
    dst = edge_index[1]
    pad = _E_PAD - _E
    nrow = _E_PAD // 128
    rel_p = jnp.pad(edge_rel, (0, pad)).reshape(nrow, 128)
    inv_p = jnp.pad(edge_inv, (0, pad)).reshape(nrow, 128)
    src_p = jnp.pad(src, (0, pad)).reshape(nrow, 128)
    dst_p = jnp.pad(dst, (0, pad), constant_values=_N).reshape(_NCHUNK, _CH)

    ia2, ib2 = pl.pallas_call(
        _idx_body,
        out_shape=[jax.ShapeDtypeStruct((nrow, 128), jnp.int32)] * 2,
    )(rel_p, inv_p, src_p)
    ia = ia2.reshape(_NCHUNK, _CH)
    ib = ib2.reshape(_NCHUNK, _CH)

    wb = jnp.concatenate(
        [W_I_w[:, _D:].T, W_O_w[:, _D:].T, W_S_w.T], axis=1)
    btab, self0 = pl.pallas_call(
        _tab_body,
        grid=(_N // _BN,),
        in_specs=[
            pl.BlockSpec((_BN, _D), lambda i: (i, 0)),
            pl.BlockSpec((_D, 3 * _D), lambda i: (0, 0)),
        ],
        out_specs=[
            pl.BlockSpec((2, _BN, _D), lambda i: (0, i, 0)),
            pl.BlockSpec((_BN, _D), lambda i: (i, 0)),
        ],
        out_shape=[
            jax.ShapeDtypeStruct((2, _N, _D), jnp.float32),
            jax.ShapeDtypeStruct((_N, _D), jnp.float32),
        ],
    )(rel_emb, wb)
    b_tab = btab.reshape(2 * _N, _D)

    wa = jnp.concatenate(
        [W_I_w[:, :_D].T, W_O_w[:, :_D].T, W_M_w.T], axis=1)
    ba = jnp.stack([W_I_b, W_O_b, W_M_b])[:, None, :]
    atab, metarel_new = pl.pallas_call(
        _meta_body,
        out_shape=[
            jax.ShapeDtypeStruct((2, _R, _D), jnp.float32),
            jax.ShapeDtypeStruct((_R, _D), jnp.float32),
        ],
    )(metarel_emb, wa, ba)
    a_tab = atab.reshape(2 * _R, _D)

    parts, cnts = _sc_edge_agg(a_tab, b_tab, ia, ib, dst_p)
    parts = parts.reshape(_NC, _NROWS, _D)
    cnts_t = cnts.reshape(_NW, _NROWS).T

    rel_emb_new = pl.pallas_call(
        _comb_body,
        grid=(_N // _BN,),
        in_specs=[
            pl.BlockSpec((_NC, _BN, _D), lambda i: (0, i, 0)),
            pl.BlockSpec((_BN, _NW), lambda i: (i, 0)),
            pl.BlockSpec((_BN, _D), lambda i: (i, 0)),
            pl.BlockSpec((1, _D), lambda i: (0, 0)),
        ],
        out_specs=pl.BlockSpec((_BN, _D), lambda i: (i, 0)),
        out_shape=jax.ShapeDtypeStruct((_N, _D), jnp.float32),
    )(parts, cnts_t, self0, W_S_b[None, :])

    return (rel_emb_new, metarel_new)

# --- scband reference (transcript-rebuilt; emitter-appended) ---
"""Pipeline reference for scband-ext-rel-layer-4561255268669 (READ-ONLY COPY).

The authoritative reference and input builder live on the scoring server;
editing this copy changes nothing except your own understanding.
"""

import jax, jax.numpy as jnp
import numpy as np

N = 10000
E = 320000
D = 128
R = 200


def _linear_params(key, out_dim, in_dim):
    k1, k2 = jax.random.split(key)
    bound = 1.0 / np.sqrt(in_dim)
    w = jax.random.uniform(k1, (out_dim, in_dim), minval=-bound, maxval=bound, dtype=jnp.float32)
    b = jax.random.uniform(k2, (out_dim,), minval=-bound, maxval=bound, dtype=jnp.float32)
    return w, b


def setup_inputs(seed: int = 0) -> dict:
    key = jax.random.key(seed)
    ks = jax.random.split(key, 9)
    rel_emb = jax.random.normal(ks[0], (N, D), dtype=jnp.float32)
    metarel_emb = jax.random.normal(ks[1], (R, D), dtype=jnp.float32)
    edge_index = jax.random.randint(ks[2], (2, E), 0, N, dtype=jnp.int32)
    edge_rel = jax.random.randint(ks[3], (E,), 0, R, dtype=jnp.int32)
    edge_inv = jax.random.randint(ks[4], (E,), 0, 2, dtype=jnp.int32)
    W_O_w, W_O_b = _linear_params(ks[5], D, 2 * D)
    W_I_w, W_I_b = _linear_params(ks[6], D, 2 * D)
    W_S_w, W_S_b = _linear_params(ks[7], D, D)
    W_M_w, W_M_b = _linear_params(ks[8], D, D)
    return {
        'rel_emb': rel_emb, 'metarel_emb': metarel_emb,
        'edge_index': edge_index, 'edge_rel': edge_rel, 'edge_inv': edge_inv,
        'W_O_w': W_O_w, 'W_O_b': W_O_b, 'W_I_w': W_I_w, 'W_I_b': W_I_b,
        'W_S_w': W_S_w, 'W_S_b': W_S_b, 'W_M_w': W_M_w, 'W_M_b': W_M_b,
    }


def reference(rel_emb, metarel_emb, edge_index, edge_rel, edge_inv,
              W_O_w, W_O_b, W_I_w, W_I_b, W_S_w, W_S_b, W_M_w, W_M_b):
    src = edge_index[0]
    dst = edge_index[1]
    # g.edata['h'] = metarel_emb[g.edata['rel']]
    h_edge = jnp.take(metarel_emb, edge_rel, axis=0)
    # msg_func: comp_h = cat(edge h, src h)
    h_src = jnp.take(rel_emb, src, axis=0)
    comp_h = jnp.concatenate([h_edge, h_src], axis=-1)
    msg_I = comp_h @ W_I_w.T + W_I_b  # inv == 0 branch
    msg_O = comp_h @ W_O_w.T + W_O_b  # inv == 1 branch
    inv_mask = (edge_inv == 1)[:, None]
    msg = jnp.where(inv_mask, msg_O, msg_I)
    # fn.mean('msg', 'h_agg') over incoming edges (by dst); isolated nodes get 0
    sums = jax.ops.segment_sum(msg, dst, num_segments=N)
    cnt = jax.ops.segment_sum(jnp.ones((msg.shape[0],), jnp.float32), dst, num_segments=N)
    h_agg = sums / jnp.maximum(cnt, 1.0)[:, None]
    # apply_node_func (dropout = identity in eval, act is None)
    rel_emb_new = rel_emb @ W_S_w.T + W_S_b + h_agg
    # metaedge_update
    metarel_new = metarel_emb @ W_M_w.T + W_M_b
    return (rel_emb_new, metarel_new)

if __name__ == "__main__":
    import jax
    _d = setup_inputs()
    print(jax.jit(kernel)(*tuple(_d.values())))

</pallas_src>

<mosaic_0001>
#map = affine_map<(d0, d1) -> (0, 0)>
#map1 = affine_map<(d0, d1) -> (0, 0, 0, 0)>
#map2 = affine_map<(d0, d1) -> (0, 0, 0)>
module attributes {stable_mosaic.version = 14 : i64} {
  func.func @edge_agg(%arg0: i32, %arg1: i32, %arg2: memref<400x128xf32, #tpu.memory_space<hbm>>, %arg3: memref<20000x128xf32, #tpu.memory_space<hbm>>, %arg4: memref<5120x64xi32, #tpu.memory_space<hbm>>, %arg5: memref<5120x64xi32, #tpu.memory_space<hbm>>, %arg6: memref<5120x64xi32, #tpu.memory_space<hbm>>, %arg7: memref<2x16x640x128xf32, #tpu.memory_space<hbm>>, %arg8: memref<2x16x10240xf32, #tpu.memory_space<hbm>>, %arg9: memref<8x64xi32, #tpu.memory_space<vmem>>, %arg10: memref<8x64xi32, #tpu.memory_space<vmem>>, %arg11: memref<8x64xi32, #tpu.memory_space<vmem>>, %arg12: memref<64x128xf32, #tpu.memory_space<vmem>>, %arg13: memref<64x128xf32, #tpu.memory_space<vmem>>, %arg14: memref<64x128xf32, #tpu.memory_space<vmem>>, %arg15: memref<64x128xf32, #tpu.memory_space<vmem>>, %arg16: memref<10240xf32, #tpu.memory_space<vmem>>, %arg17: memref<10240x128xf32, #tpu.memory_space<vmem_shared>>, %arg18: memref<!tpu.dma_semaphore, #tpu.memory_space<semaphore_mem>>, %arg19: memref<!tpu.dma_semaphore, #tpu.memory_space<semaphore_mem>>, %arg20: memref<!tpu.dma_semaphore, #tpu.memory_space<semaphore_mem>>, %arg21: memref<!tpu.dma_semaphore, #tpu.memory_space<semaphore_mem>>, %arg22: memref<!tpu.dma_semaphore, #tpu.memory_space<semaphore_mem>>, %arg23: memref<!tpu.dma_semaphore, #tpu.memory_space<semaphore_mem>>, %arg24: memref<!tpu.dma_semaphore, #tpu.memory_space<semaphore_mem>>, %arg25: memref<!tpu.dma_semaphore, #tpu.memory_space<semaphore_mem>>) attributes {dimension_semantics = [#tpu.dimension_semantics<core_parallel>, #tpu.dimension_semantics<subcore_parallel>], iteration_bounds = array<i64: 2, 16>, scalar_prefetch = 0 : i64, scratch_operands = 17 : i64, tpu.core_type = #tpu.core_type<sc_vector_subcore>, window_params = [{transform_indices = #map}, {transform_indices = #map}, {transform_indices = #map}, {transform_indices = #map}, {transform_indices = #map}, {transform_indices = #map1}, {transform_indices = #map2}]} {
    %mul3A = arith.constant 640 : i32
    %mul3A_0 = arith.muli %arg1, %mul3A : i32
    %eq3A = arith.constant 0 : i32
    %eq3A_1 = arith.cmpi eq, %arg0, %eq3A : i32
    %jit3A = arith.constant 256 : i32
    %jit3A_2 = arith.constant 64 : i32
    %select_n3A = arith.select %eq3A_1, %jit3A, %jit3A_2 : i32
    %eq3A_3 = arith.constant 0 : i32
    %eq3A_4 = arith.cmpi eq, %arg0, %eq3A_3 : i32
    %mul3A_5 = arith.constant 256 : i32
    %mul3A_6 = arith.muli %arg1, %mul3A_5 : i32
    %mul3A_7 = arith.constant 64 : i32
    %mul3A_8 = arith.muli %arg1, %mul3A_7 : i32
    %add3A = arith.constant 4096 : i32
    %add3A_9 = arith.addi %add3A, %mul3A_8 : i32
    %select_n3A_10 = arith.select %eq3A_4, %mul3A_6, %add3A_9 : i32
    %broadcast_in_dim3A = arith.constant 0.000000e+00 : f32
    %broadcast_in_dim3A_11 = vector.broadcast %broadcast_in_dim3A : f32 to vector<16xf32>
    %broadcast_in_dim3A_12 = arith.constant 1.000000e+00 : f32
    %broadcast_in_dim3A_13 = vector.broadcast %broadcast_in_dim3A_12 : f32 to vector<16xf32>
    %scan3A = arith.constant 0 : i32
    %scan3A_14 = arith.constant 64 : i32
    %scan3A_15 = arith.addi %scan3A, %scan3A_14 : i32
    %scan3A_16 = arith.constant 1 : i32
    scf.for %scan3A_45 = %scan3A to %scan3A_15 step %scan3A_16  : i32 {
      %mul3A_46 = arith.constant 1 : i32
      %mul3A_47 = arith.muli %scan3A_45, %mul3A_46 : i32
      %add3A_48 = arith.constant 0 : i32
      %add3A_49 = arith.addi %add3A_48, %mul3A_47 : i32
      %scan3A_50 = arith.constant 0 : i32
      %scan3A_51 = arith.constant 8 : i32
      %scan3A_52 = arith.addi %scan3A_50, %scan3A_51 : i32
      %scan3A_53 = arith.constant 1 : i32
      scf.for %scan3A_55 = %scan3A_50 to %scan3A_52 step %scan3A_53  : i32 {
        %mul3A_56 = arith.constant 16 : i32
        %mul3A_57 = arith.muli %scan3A_55, %mul3A_56 : i32
        %add3A_58 = arith.constant 0 : i32
        %add3A_59 = arith.addi %add3A_58, %mul3A_57 : i32
        %swap3A = arith.index_cast %add3A_49 : i32 to index
        %swap3A_60 = arith.index_cast %add3A_59 : i32 to index
        %swap3A_61 = tpu.vector_load %arg12[%swap3A, %swap3A_60] {strides = array<i32>} : memref<64x128xf32, #tpu.memory_space<vmem>>, vector<16xf32>,
        tpu.vector_store %arg12[%swap3A, %swap3A_60], %broadcast_in_dim3A_11 {strides = array<i32>} : memref<64x128xf32, #tpu.memory_space<vmem>>, vector<16xf32>,
      }
      %scan3A_54 = arith.constant 8 : i32
    }
    %scan3A_17 = arith.constant 64 : i32
    %scan3A_18 = arith.constant 0 : i32
    %scan3A_19 = arith.constant 10 : i32
    %scan3A_20 = arith.addi %scan3A_18, %scan3A_19 : i32
    %scan3A_21 = arith.constant 1 : i32
    scf.for %scan3A_45 = %scan3A_18 to %scan3A_20 step %scan3A_21  : i32 {
      %mul3A_46 = arith.constant 64 : i32
      %mul3A_47 = arith.muli %scan3A_45, %mul3A_46 : i32
      %add3A_48 = arith.constant 0 : i32
      %add3A_49 = arith.addi %add3A_48, %mul3A_47 : i32
      %add3A_50 = arith.addi %mul3A_0, %add3A_49 : i32
      "tpu.region"() ({
        %run_scoped3A = tpu.sem_alloc : memref<!tpu.dma_semaphore, #tpu.memory_space<semaphore_mem>>
        %dma_start3A = arith.constant 0 : i32
        %dma_start3A_51 = tpu.memref_slice %arg17[%add3A_50, %dma_start3A] : memref<10240x128xf32, #tpu.memory_space<vmem_shared>> -> memref<64x128xf32, #tpu.memory_space<vmem_shared>>
        %dma_start3A_52 = arith.constant 0 : i32
        %dma_start3A_53 = tpu.memref_slice %arg17[%add3A_50, %dma_start3A_52] : memref<10240x128xf32, #tpu.memory_space<vmem_shared>> -> memref<64x128xf32, #tpu.memory_space<vmem_shared>>
        tpu.enqueue_dma source(%arg12 : memref<64x128xf32, #tpu.memory_space<vmem>>) target(%dma_start3A_53 : memref<64x128xf32, #tpu.memory_space<vmem_shared>>) target_semaphore(%run_scoped3A : memref<!tpu.dma_semaphore, #tpu.memory_space<semaphore_mem>>)
        %dma_wait3A = arith.constant 0 : i32
        %dma_wait3A_54 = tpu.memref_slice %arg17[%add3A_50, %dma_wait3A] : memref<10240x128xf32, #tpu.memory_space<vmem_shared>> -> memref<64x128xf32, #tpu.memory_space<vmem_shared>>
        %dma_wait3A_55 = arith.constant 0 : i32
        %dma_wait3A_56 = tpu.memref_slice %arg17[%add3A_50, %dma_wait3A_55] : memref<10240x128xf32, #tpu.memory_space<vmem_shared>> -> memref<64x128xf32, #tpu.memory_space<vmem_shared>>
        tpu.wait_dma2 semaphore(%run_scoped3A : memref<!tpu.dma_semaphore, #tpu.memory_space<semaphore_mem>>) src(%arg12 : memref<64x128xf32, #tpu.memory_space<vmem>>) dst(%dma_wait3A_56 : memref<64x128xf32, #tpu.memory_space<vmem_shared>>)
        tpu.yield
      }) : () -> ()
    }
    %scan3A_22 = arith.constant 10 : i32
    %scan3A_23 = arith.constant 0 : i32
    %scan3A_24 = arith.constant 640 : i32
    %scan3A_25 = arith.addi %scan3A_23, %scan3A_24 : i32
    %scan3A_26 = arith.constant 1 : i32
    scf.for %scan3A_45 = %scan3A_23 to %scan3A_25 step %scan3A_26  : i32 {
      %mul3A_46 = arith.constant 16 : i32
      %mul3A_47 = arith.muli %scan3A_45, %mul3A_46 : i32
      %add3A_48 = arith.constant 0 : i32
      %add3A_49 = arith.addi %add3A_48, %mul3A_47 : i32
      %swap3A = arith.index_cast %add3A_49 : i32 to index
      %swap3A_50 = tpu.vector_load %arg16[%swap3A] {strides = array<i32>} : memref<10240xf32, #tpu.memory_space<vmem>>, vector<16xf32>,
      tpu.vector_store %arg16[%swap3A], %broadcast_in_dim3A_11 {strides = array<i32>} : memref<10240xf32, #tpu.memory_space<vmem>>, vector<16xf32>,
    }
    %scan3A_27 = arith.constant 640 : i32
    %barrier3A = arith.constant 0 : index
    tpu.barrier barrier_id(%barrier3A)
    %sub3A = arith.constant 0 : i32
    %sub3A_28 = arith.subi %select_n3A, %sub3A : i32
    %sub3A_29 = arith.constant 8 : i32
    %sub3A_30 = arith.constant 1 : i32
    %sub3A_31 = arith.subi %sub3A_29, %sub3A_30 : i32
    %add3A_32 = arith.addi %sub3A_28, %sub3A_31 : i32
    %div3A = arith.constant 8 : i32
    %div3A_33 = arith.divsi %add3A_32, %div3A : i32
    %while3A = arith.constant 8 : i32
    %while3A_34 = arith.constant 0 : i32
    %while3A_35 = arith.constant 0 : i32
    %while3A_36 = arith.subi %div3A_33, %while3A_35 : i32
    %while3A_37 = arith.addi %while3A_35, %while3A_36 : i32
    %while3A_38 = arith.constant 1 : i32
    %while3A_39 = arith.divsi %while3A_36, %while3A_38 : i32
    %while3A_40 = arith.muli %while3A_39, %while3A_38 : i32
    %while3A_41 = arith.addi %while3A_35, %while3A_40 : i32
    %while3A_42 = arith.constant 1 : i32
    scf.for %while3A_45 = %while3A_35 to %while3A_41 step %while3A_42  : i32 {
      %mul3A_46 = arith.muli %while3A_45, %while3A : i32
      %add3A_47 = arith.addi %while3A_34, %mul3A_46 : i32
      %add3A_48 = arith.addi %select_n3A_10, %add3A_47 : i32
      "tpu.region"() ({
        %run_scoped3A = tpu.sem_alloc : memref<!tpu.dma_semaphore, #tpu.memory_space<semaphore_mem>>
        %dma_start3A_69 = arith.constant 0 : i32
        %dma_start3A_70 = tpu.memref_slice %arg4[%add3A_48, %dma_start3A_69] : memref<5120x64xi32, #tpu.memory_space<hbm>> -> memref<8x64xi32, #tpu.memory_space<hbm>>
        %dma_start3A_71 = arith.constant 0 : i32
        %dma_start3A_72 = tpu.memref_slice %arg4[%add3A_48, %dma_start3A_71] : memref<5120x64xi32, #tpu.memory_space<hbm>> -> memref<8x64xi32, #tpu.memory_space<hbm>>
        tpu.enqueue_dma source(%dma_start3A_72 : memref<8x64xi32, #tpu.memory_space<hbm>>) target(%arg9 : memref<8x64xi32, #tpu.memory_space<vmem>>) target_semaphore(%run_scoped3A : memref<!tpu.dma_semaphore, #tpu.memory_space<semaphore_mem>>)
        %dma_wait3A = arith.constant 0 : i32
        %dma_wait3A_73 = tpu.memref_slice %arg4[%add3A_48, %dma_wait3A] : memref<5120x64xi32, #tpu.memory_space<hbm>> -> memref<8x64xi32, #tpu.memory_space<hbm>>
        %dma_wait3A_74 = arith.constant 0 : i32
        %dma_wait3A_75 = tpu.memref_slice %arg4[%add3A_48, %dma_wait3A_74] : memref<5120x64xi32, #tpu.memory_space<hbm>> -> memref<8x64xi32, #tpu.memory_space<hbm>>
        tpu.wait_dma2 semaphore(%run_scoped3A : memref<!tpu.dma_semaphore, #tpu.memory_space<semaphore_mem>>) src(%dma_wait3A_75 : memref<8x64xi32, #tpu.memory_space<hbm>>) dst(%arg9 : memref<8x64xi32, #tpu.memory_space<vmem>>)
        tpu.yield
      }) : () -> ()
      %add3A_49 = arith.addi %select_n3A_10, %add3A_47 : i32
      "tpu.region"() ({
        %run_scoped3A = tpu.sem_alloc : memref<!tpu.dma_semaphore, #tpu.memory_space<semaphore_mem>>
        %dma_start3A_69 = arith.constant 0 : i32
        %dma_start3A_70 = tpu.memref_slice %arg5[%add3A_49, %dma_start3A_69] : memref<5120x64xi32, #tpu.memory_space<hbm>> -> memref<8x64xi32, #tpu.memory_space<hbm>>
        %dma_start3A_71 = arith.constant 0 : i32
        %dma_start3A_72 = tpu.memref_slice %arg5[%add3A_49, %dma_start3A_71] : memref<5120x64xi32, #tpu.memory_space<hbm>> -> memref<8x64xi32, #tpu.memory_space<hbm>>
        tpu.enqueue_dma source(%dma_start3A_72 : memref<8x64xi32, #tpu.memory_space<hbm>>) target(%arg10 : memref<8x64xi32, #tpu.memory_space<vmem>>) target_semaphore(%run_scoped3A : memref<!tpu.dma_semaphore, #tpu.memory_space<semaphore_mem>>)
        %dma_wait3A = arith.constant 0 : i32
        %dma_wait3A_73 = tpu.memref_slice %arg5[%add3A_49, %dma_wait3A] : memref<5120x64xi32, #tpu.memory_space<hbm>> -> memref<8x64xi32, #tpu.memory_space<hbm>>
        %dma_wait3A_74 = arith.constant 0 : i32
        %dma_wait3A_75 = tpu.memref_slice %arg5[%add3A_49, %dma_wait3A_74] : memref<5120x64xi32, #tpu.memory_space<hbm>> -> memref<8x64xi32, #tpu.memory_space<hbm>>
        tpu.wait_dma2 semaphore(%run_scoped3A : memref<!tpu.dma_semaphore, #tpu.memory_space<semaphore_mem>>) src(%dma_wait3A_75 : memref<8x64xi32, #tpu.memory_space<hbm>>) dst(%arg10 : memref<8x64xi32, #tpu.memory_space<vmem>>)
        tpu.yield
      }) : () -> ()
      %add3A_50 = arith.addi %select_n3A_10, %add3A_47 : i32
      "tpu.region"() ({
        %run_scoped3A = tpu.sem_alloc : memref<!tpu.dma_semaphore, #tpu.memory_space<semaphore_mem>>
        %dma_start3A_69 = arith.constant 0 : i32
        %dma_start3A_70 = tpu.memref_slice %arg6[%add3A_50, %dma_start3A_69] : memref<5120x64xi32, #tpu.memory_space<hbm>> -> memref<8x64xi32, #tpu.memory_space<hbm>>
        %dma_start3A_71 = arith.constant 0 : i32
        %dma_start3A_72 = tpu.memref_slice %arg6[%add3A_50, %dma_start3A_71] : memref<5120x64xi32, #tpu.memory_space<hbm>> -> memref<8x64xi32, #tpu.memory_space<hbm>>
        tpu.enqueue_dma source(%dma_start3A_72 : memref<8x64xi32, #tpu.memory_space<hbm>>) target(%arg11 : memref<8x64xi32, #tpu.memory_space<vmem>>) target_semaphore(%run_scoped3A : memref<!tpu.dma_semaphore, #tpu.memory_space<semaphore_mem>>)
        %dma_wait3A = arith.constant 0 : i32
        %dma_wait3A_73 = tpu.memref_slice %arg6[%add3A_50, %dma_wait3A] : memref<5120x64xi32, #tpu.memory_space<hbm>> -> memref<8x64xi32, #tpu.memory_space<hbm>>
        %dma_wait3A_74 = arith.constant 0 : i32
        %dma_wait3A_75 = tpu.memref_slice %arg6[%add3A_50, %dma_wait3A_74] : memref<5120x64xi32, #tpu.memory_space<hbm>> -> memref<8x64xi32, #tpu.memory_space<hbm>>
        tpu.wait_dma2 semaphore(%run_scoped3A : memref<!tpu.dma_semaphore, #tpu.memory_space<semaphore_mem>>) src(%dma_wait3A_75 : memref<8x64xi32, #tpu.memory_space<hbm>>) dst(%arg11 : memref<8x64xi32, #tpu.memory_space<vmem>>)
        tpu.yield
      }) : () -> ()
      %dma_start3A = arith.constant 0 : i32
      %dma_start3A_51 = arith.constant 0 : i32
      %dma_start3A_52 = tpu.memref_slice %arg9[%dma_start3A, %dma_start3A_51] : memref<8x64xi32, #tpu.memory_space<vmem>> -> memref<1x64xi32, #tpu.memory_space<vmem>>
      %dma_start3A_53 = tpu.memref_squeeze %dma_start3A_52 : memref<1x64xi32, #tpu.memory_space<vmem>> -> memref<64xi32, #tpu.memory_space<vmem>>
      %dma_start3A_54 = arith.constant 0 : i32
      %dma_start3A_55 = arith.constant 0 : i32
      %dma_start3A_56 = tpu.memref_slice %arg2[%dma_start3A_54, %dma_start3A_55] : memref<400x128xf32, #tpu.memory_space<hbm>> -> memref<400x128xf32, #tpu.memory_space<hbm>>
      tpu.enqueue_indirect_dma source(%dma_start3A_56 : memref<400x128xf32, #tpu.memory_space<hbm>>) target(%arg12 : memref<64x128xf32, #tpu.memory_space<vmem>>) offsets(%dma_start3A_53 : memref<64xi32, #tpu.memory_space<vmem>>) semaphore(%arg18 : memref<!tpu.dma_semaphore, #tpu.memory_space<semaphore_mem>>)
      %dma_start3A_57 = arith.constant 0 : i32
      %dma_start3A_58 = arith.constant 0 : i32
      %dma_start3A_59 = tpu.memref_slice %arg10[%dma_start3A_57, %dma_start3A_58] : memref<8x64xi32, #tpu.memory_space<vmem>> -> memref<1x64xi32, #tpu.memory_space<vmem>>
      %dma_start3A_60 = tpu.memref_squeeze %dma_start3A_59 : memref<1x64xi32, #tpu.memory_space<vmem>> -> memref<64xi32, #tpu.memory_space<vmem>>
      %dma_start3A_61 = arith.constant 0 : i32
      %dma_start3A_62 = arith.constant 0 : i32
      %dma_start3A_63 = tpu.memref_slice %arg3[%dma_start3A_61, %dma_start3A_62] : memref<20000x128xf32, #tpu.memory_space<hbm>> -> memref<20000x128xf32, #tpu.memory_space<hbm>>
      tpu.enqueue_indirect_dma source(%dma_start3A_63 : memref<20000x128xf32, #tpu.memory_space<hbm>>) target(%arg13 : memref<64x128xf32, #tpu.memory_space<vmem>>) offsets(%dma_start3A_60 : memref<64xi32, #tpu.memory_space<vmem>>) semaphore(%arg19 : memref<!tpu.dma_semaphore, #tpu.memory_space<semaphore_mem>>)
      %scan3A_64 = arith.constant 0 : i32
      %scan3A_65 = arith.constant 4 : i32
      %scan3A_66 = arith.addi %scan3A_64, %scan3A_65 : i32
      %scan3A_67 = arith.constant 1 : i32
      scf.for %scan3A_69 = %scan3A_64 to %scan3A_66 step %scan3A_67  : i32 {
        %mul3A_70 = arith.constant 2 : i32
        %mul3A_71 = arith.muli %scan3A_69, %mul3A_70 : i32
        %add3A_72 = arith.constant 0 : i32
        %add3A_73 = arith.addi %add3A_72, %mul3A_71 : i32
        %add3A_74 = arith.constant 1 : i32
        %add3A_75 = arith.addi %add3A_73, %add3A_74 : i32
        %dma_start3A_76 = arith.constant 0 : i32
        %dma_start3A_77 = tpu.memref_slice %arg9[%add3A_75, %dma_start3A_76] : memref<8x64xi32, #tpu.memory_space<vmem>> -> memref<1x64xi32, #tpu.memory_space<vmem>>
        %dma_start3A_78 = tpu.memref_squeeze %dma_start3A_77 : memref<1x64xi32, #tpu.memory_space<vmem>> -> memref<64xi32, #tpu.memory_space<vmem>>
        %dma_start3A_79 = arith.constant 0 : i32
        %dma_start3A_80 = arith.constant 0 : i32
        %dma_start3A_81 = tpu.memref_slice %arg2[%dma_start3A_79, %dma_start3A_80] : memref<400x128xf32, #tpu.memory_space<hbm>> -> memref<400x128xf32, #tpu.memory_space<hbm>>
        tpu.enqueue_indirect_dma source(%dma_start3A_81 : memref<400x128xf32, #tpu.memory_space<hbm>>) target(%arg14 : memref<64x128xf32, #tpu.memory_space<vmem>>) offsets(%dma_start3A_78 : memref<64xi32, #tpu.memory_space<vmem>>) semaphore(%arg22 : memref<!tpu.dma_semaphore, #tpu.memory_space<semaphore_mem>>)
        %dma_start3A_82 = arith.constant 0 : i32
        %dma_start3A_83 = tpu.memref_slice %arg10[%add3A_75, %dma_start3A_82] : memref<8x64xi32, #tpu.memory_space<vmem>> -> memref<1x64xi32, #tpu.memory_space<vmem>>
        %dma_start3A_84 = tpu.memref_squeeze %dma_start3A_83 : memref<1x64xi32, #tpu.memory_space<vmem>> -> memref<64xi32, #tpu.memory_space<vmem>>
        %dma_start3A_85 = arith.constant 0 : i32
        %dma_start3A_86 = arith.constant 0 : i32
        %dma_start3A_87 = tpu.memref_slice %arg3[%dma_start3A_85, %dma_start3A_86] : memref<20000x128xf32, #tpu.memory_space<hbm>> -> memref<20000x128xf32, #tpu.memory_space<hbm>>
        tpu.enqueue_indirect_dma source(%dma_start3A_87 : memref<20000x128xf32, #tpu.memory_space<hbm>>) target(%arg15 : memref<64x128xf32, #tpu.memory_space<vmem>>) offsets(%dma_start3A_84 : memref<64xi32, #tpu.memory_space<vmem>>) semaphore(%arg23 : memref<!tpu.dma_semaphore, #tpu.memory_space<semaphore_mem>>)
        %get3A = arith.index_cast %add3A_73 : i32 to index
        %get3A_88 = arith.constant 0 : index
        %get3A_89 = tpu.vector_load %arg11[%get3A, %get3A_88] {strides = array<i32>} : memref<8x64xi32, #tpu.memory_space<vmem>>, vector<16xi32>,
        tpu.vector_store_idx %arg16[%get3A_89], %broadcast_in_dim3A_13 {add = true} : memref<10240xf32, #tpu.memory_space<vmem>>[vector<16xi32>], vector<16xf32>,
        %get3A_90 = arith.index_cast %add3A_73 : i32 to index
        %get3A_91 = arith.constant 16 : index
        %get3A_92 = tpu.vector_load %arg11[%get3A_90, %get3A_91] {strides = array<i32>} : memref<8x64xi32, #tpu.memory_space<vmem>>, vector<16xi32>,
        tpu.vector_store_idx %arg16[%get3A_92], %broadcast_in_dim3A_13 {add = true} : memref<10240xf32, #tpu.memory_space<vmem>>[vector<16xi32>], vector<16xf32>,
        %get3A_93 = arith.index_cast %add3A_73 : i32 to index
        %get3A_94 = arith.constant 32 : index
        %get3A_95 = tpu.vector_load %arg11[%get3A_93, %get3A_94] {strides = array<i32>} : memref<8x64xi32, #tpu.memory_space<vmem>>, vector<16xi32>,
        tpu.vector_store_idx %arg16[%get3A_95], %broadcast_in_dim3A_13 {add = true} : memref<10240xf32, #tpu.memory_space<vmem>>[vector<16xi32>], vector<16xf32>,
        %get3A_96 = arith.index_cast %add3A_73 : i32 to index
        %get3A_97 = arith.constant 48 : index
        %get3A_98 = tpu.vector_load %arg11[%get3A_96, %get3A_97] {strides = array<i32>} : memref<8x64xi32, #tpu.memory_space<vmem>>, vector<16xi32>,
        tpu.vector_store_idx %arg16[%get3A_98], %broadcast_in_dim3A_13 {add = true} : memref<10240xf32, #tpu.memory_space<vmem>>[vector<16xi32>], vector<16xf32>,
        %add3A_99 = arith.constant 1 : i32
        %add3A_100 = arith.addi %add3A_73, %add3A_99 : i32
        %get3A_101 = arith.index_cast %add3A_100 : i32 to index
        %get3A_102 = arith.constant 0 : index
        %get3A_103 = tpu.vector_load %arg11[%get3A_101, %get3A_102] {strides = array<i32>} : memref<8x64xi32, #tpu.memory_space<vmem>>, vector<16xi32>,
        tpu.vector_store_idx %arg16[%get3A_103], %broadcast_in_dim3A_13 {add = true} : memref<10240xf32, #tpu.memory_space<vmem>>[vector<16xi32>], vector<16xf32>,
        %get3A_104 = arith.index_cast %add3A_100 : i32 to index
        %get3A_105 = arith.constant 16 : index
        %get3A_106 = tpu.vector_load %arg11[%get3A_104, %get3A_105] {strides = array<i32>} : memref<8x64xi32, #tpu.memory_space<vmem>>, vector<16xi32>,
        tpu.vector_store_idx %arg16[%get3A_106], %broadcast_in_dim3A_13 {add = true} : memref<10240xf32, #tpu.memory_space<vmem>>[vector<16xi32>], vector<16xf32>,
        %get3A_107 = arith.index_cast %add3A_100 : i32 to index
        %get3A_108 = arith.constant 32 : index
        %get3A_109 = tpu.vector_load %arg11[%get3A_107, %get3A_108] {strides = array<i32>} : memref<8x64xi32, #tpu.memory_space<vmem>>, vector<16xi32>,
        tpu.vector_store_idx %arg16[%get3A_109], %broadcast_in_dim3A_13 {add = true} : memref<10240xf32, #tpu.memory_space<vmem>>[vector<16xi32>], vector<16xf32>,
        %get3A_110 = arith.index_cast %add3A_100 : i32 to index
        %get3A_111 = arith.constant 48 : index
        %get3A_112 = tpu.vector_load %arg11[%get3A_110, %get3A_111] {strides = array<i32>} : memref<8x64xi32, #tpu.memory_space<vmem>>, vector<16xi32>,
        tpu.vector_store_idx %arg16[%get3A_112], %broadcast_in_dim3A_13 {add = true} : memref<10240xf32, #tpu.memory_space<vmem>>[vector<16xi32>], vector<16xf32>,
        %dma_wait3A = arith.constant 0 : i32
        %dma_wait3A_113 = tpu.memref_slice %arg9[%add3A_73, %dma_wait3A] : memref<8x64xi32, #tpu.memory_space<vmem>> -> memref<1x64xi32, #tpu.memory_space<vmem>>
        %dma_wait3A_114 = tpu.memref_squeeze %dma_wait3A_113 : memref<1x64xi32, #tpu.memory_space<vmem>> -> memref<64xi32, #tpu.memory_space<vmem>>
        %dma_wait3A_115 = arith.constant 0 : i32
        %dma_wait3A_116 = arith.constant 0 : i32
        %dma_wait3A_117 = tpu.memref_slice %arg2[%dma_wait3A_115, %dma_wait3A_116] : memref<400x128xf32, #tpu.memory_space<hbm>> -> memref<400x128xf32, #tpu.memory_space<hbm>>
        tpu.wait_indirect_dma semaphore(%arg18 : memref<!tpu.dma_semaphore, #tpu.memory_space<semaphore_mem>>) src(%dma_wait3A_117 : memref<400x128xf32, #tpu.memory_space<hbm>>) dst(%arg12 : memref<64x128xf32, #tpu.memory_space<vmem>>)
        %dma_wait3A_118 = arith.constant 0 : i32
        %dma_wait3A_119 = tpu.memref_slice %arg10[%add3A_73, %dma_wait3A_118] : memref<8x64xi32, #tpu.memory_space<vmem>> -> memref<1x64xi32, #tpu.memory_space<vmem>>
        %dma_wait3A_120 = tpu.memref_squeeze %dma_wait3A_119 : memref<1x64xi32, #tpu.memory_space<vmem>> -> memref<64xi32, #tpu.memory_space<vmem>>
        %dma_wait3A_121 = arith.constant 0 : i32
        %dma_wait3A_122 = arith.constant 0 : i32
        %dma_wait3A_123 = tpu.memref_slice %arg3[%dma_wait3A_121, %dma_wait3A_122] : memref<20000x128xf32, #tpu.memory_space<hbm>> -> memref<20000x128xf32, #tpu.memory_space<hbm>>
        tpu.wait_indirect_dma semaphore(%arg19 : memref<!tpu.dma_semaphore, #tpu.memory_space<semaphore_mem>>) src(%dma_wait3A_123 : memref<20000x128xf32, #tpu.memory_space<hbm>>) dst(%arg13 : memref<64x128xf32, #tpu.memory_space<vmem>>)
        %dma_start3A_124 = arith.constant 0 : i32
        %dma_start3A_125 = tpu.memref_slice %arg11[%add3A_73, %dma_start3A_124] : memref<8x64xi32, #tpu.memory_space<vmem>> -> memref<1x64xi32, #tpu.memory_space<vmem>>
        %dma_start3A_126 = tpu.memref_squeeze %dma_start3A_125 : memref<1x64xi32, #tpu.memory_space<vmem>> -> memref<64xi32, #tpu.memory_space<vmem>>
        %dma_start3A_127 = arith.constant 0 : i32
        %dma_start3A_128 = arith.constant 0 : i32
        %dma_start3A_129 = tpu.memref_slice %arg17[%dma_start3A_127, %dma_start3A_128] : memref<10240x128xf32, #tpu.memory_space<vmem_shared>> -> memref<10240x128xf32, #tpu.memory_space<vmem_shared>>
        tpu.enqueue_indirect_dma source(%arg12 : memref<64x128xf32, #tpu.memory_space<vmem>>) target(%dma_start3A_129 : memref<10240x128xf32, #tpu.memory_space<vmem_shared>>) offsets(%dma_start3A_126 : memref<64xi32, #tpu.memory_space<vmem>>) semaphore(%arg20 : memref<!tpu.dma_semaphore, #tpu.memory_space<semaphore_mem>>) {add = true}
        %dma_start3A_130 = arith.constant 0 : i32
        %dma_start3A_131 = tpu.memref_slice %arg11[%add3A_73, %dma_start3A_130] : memref<8x64xi32, #tpu.memory_space<vmem>> -> memref<1x64xi32, #tpu.memory_space<vmem>>
        %dma_start3A_132 = tpu.memref_squeeze %dma_start3A_131 : memref<1x64xi32, #tpu.memory_space<vmem>> -> memref<64xi32, #tpu.memory_space<vmem>>
        %dma_start3A_133 = arith.constant 0 : i32
        %dma_start3A_134 = arith.constant 0 : i32
        %dma_start3A_135 = tpu.memref_slice %arg17[%dma_start3A_133, %dma_start3A_134] : memref<10240x128xf32, #tpu.memory_space<vmem_shared>> -> memref<10240x128xf32, #tpu.memory_space<vmem_shared>>
        tpu.enqueue_indirect_dma source(%arg13 : memref<64x128xf32, #tpu.memory_space<vmem>>) target(%dma_start3A_135 : memref<10240x128xf32, #tpu.memory_space<vmem_shared>>) offsets(%dma_start3A_132 : memref<64xi32, #tpu.memory_space<vmem>>) semaphore(%arg21 : memref<!tpu.dma_semaphore, #tpu.memory_space<semaphore_mem>>) {add = true}
        %add3A_136 = arith.constant 1 : i32
        %add3A_137 = arith.addi %add3A_73, %add3A_136 : i32
        %dma_wait3A_138 = arith.constant 0 : i32
        %dma_wait3A_139 = tpu.memref_slice %arg9[%add3A_137, %dma_wait3A_138] : memref<8x64xi32, #tpu.memory_space<vmem>> -> memref<1x64xi32, #tpu.memory_space<vmem>>
        %dma_wait3A_140 = tpu.memref_squeeze %dma_wait3A_139 : memref<1x64xi32, #tpu.memory_space<vmem>> -> memref<64xi32, #tpu.memory_space<vmem>>
        %dma_wait3A_141 = arith.constant 0 : i32
        %dma_wait3A_142 = arith.constant 0 : i32
        %dma_wait3A_143 = tpu.memref_slice %arg2[%dma_wait3A_141, %dma_wait3A_142] : memref<400x128xf32, #tpu.memory_space<hbm>> -> memref<400x128xf32, #tpu.memory_space<hbm>>
        tpu.wait_indirect_dma semaphore(%arg22 : memref<!tpu.dma_semaphore, #tpu.memory_space<semaphore_mem>>) src(%dma_wait3A_143 : memref<400x128xf32, #tpu.memory_space<hbm>>) dst(%arg14 : memref<64x128xf32, #tpu.memory_space<vmem>>)
        %dma_wait3A_144 = arith.constant 0 : i32
        %dma_wait3A_145 = tpu.memref_slice %arg10[%add3A_137, %dma_wait3A_144] : memref<8x64xi32, #tpu.memory_space<vmem>> -> memref<1x64xi32, #tpu.memory_space<vmem>>
        %dma_wait3A_146 = tpu.memref_squeeze %dma_wait3A_145 : memref<1x64xi32, #tpu.memory_space<vmem>> -> memref<64xi32, #tpu.memory_space<vmem>>
        %dma_wait3A_147 = arith.constant 0 : i32
        %dma_wait3A_148 = arith.constant 0 : i32
        %dma_wait3A_149 = tpu.memref_slice %arg3[%dma_wait3A_147, %dma_wait3A_148] : memref<20000x128xf32, #tpu.memory_space<hbm>> -> memref<20000x128xf32, #tpu.memory_space<hbm>>
        tpu.wait_indirect_dma semaphore(%arg23 : memref<!tpu.dma_semaphore, #tpu.memory_space<semaphore_mem>>) src(%dma_wait3A_149 : memref<20000x128xf32, #tpu.memory_space<hbm>>) dst(%arg15 : memref<64x128xf32, #tpu.memory_space<vmem>>)
        %add3A_150 = arith.constant 1 : i32
        %add3A_151 = arith.addi %add3A_73, %add3A_150 : i32
        %dma_start3A_152 = arith.constant 0 : i32
        %dma_start3A_153 = tpu.memref_slice %arg11[%add3A_151, %dma_start3A_152] : memref<8x64xi32, #tpu.memory_space<vmem>> -> memref<1x64xi32, #tpu.memory_space<vmem>>
        %dma_start3A_154 = tpu.memref_squeeze %dma_start3A_153 : memref<1x64xi32, #tpu.memory_space<vmem>> -> memref<64xi32, #tpu.memory_space<vmem>>
        %dma_start3A_155 = arith.constant 0 : i32
        %dma_start3A_156 = arith.constant 0 : i32
        %dma_start3A_157 = tpu.memref_slice %arg17[%dma_start3A_155, %dma_start3A_156] : memref<10240x128xf32, #tpu.memory_space<vmem_shared>> -> memref<10240x128xf32, #tpu.memory_space<vmem_shared>>
        tpu.enqueue_indirect_dma source(%arg14 : memref<64x128xf32, #tpu.memory_space<vmem>>) target(%dma_start3A_157 : memref<10240x128xf32, #tpu.memory_space<vmem_shared>>) offsets(%dma_start3A_154 : memref<64xi32, #tpu.memory_space<vmem>>) semaphore(%arg24 : memref<!tpu.dma_semaphore, #tpu.memory_space<semaphore_mem>>) {add = true}
        %dma_start3A_158 = arith.constant 0 : i32
        %dma_start3A_159 = tpu.memref_slice %arg11[%add3A_151, %dma_start3A_158] : memref<8x64xi32, #tpu.memory_space<vmem>> -> memref<1x64xi32, #tpu.memory_space<vmem>>
        %dma_start3A_160 = tpu.memref_squeeze %dma_start3A_159 : memref<1x64xi32, #tpu.memory_space<vmem>> -> memref<64xi32, #tpu.memory_space<vmem>>
        %dma_start3A_161 = arith.constant 0 : i32
        %dma_start3A_162 = arith.constant 0 : i32
        %dma_start3A_163 = tpu.memref_slice %arg17[%dma_start3A_161, %dma_start3A_162] : memref<10240x128xf32, #tpu.memory_space<vmem_shared>> -> memref<10240x128xf32, #tpu.memory_space<vmem_shared>>
        tpu.enqueue_indirect_dma source(%arg15 : memref<64x128xf32, #tpu.memory_space<vmem>>) target(%dma_start3A_163 : memref<10240x128xf32, #tpu.memory_space<vmem_shared>>) offsets(%dma_start3A_160 : memref<64xi32, #tpu.memory_space<vmem>>) semaphore(%arg25 : memref<!tpu.dma_semaphore, #tpu.memory_space<semaphore_mem>>) {add = true}
        %dma_wait3A_164 = arith.constant 0 : i32
        %dma_wait3A_165 = tpu.memref_slice %arg11[%add3A_73, %dma_wait3A_164] : memref<8x64xi32, #tpu.memory_space<vmem>> -> memref<1x64xi32, #tpu.memory_space<vmem>>
        %dma_wait3A_166 = tpu.memref_squeeze %dma_wait3A_165 : memref<1x64xi32, #tpu.memory_space<vmem>> -> memref<64xi32, #tpu.memory_space<vmem>>
        %dma_wait3A_167 = arith.constant 0 : i32
        %dma_wait3A_168 = arith.constant 0 : i32
        %dma_wait3A_169 = tpu.memref_slice %arg17[%dma_wait3A_167, %dma_wait3A_168] : memref<10240x128xf32, #tpu.memory_space<vmem_shared>> -> memref<10240x128xf32, #tpu.memory_space<vmem_shared>>
        tpu.wait_indirect_dma semaphore(%arg20 : memref<!tpu.dma_semaphore, #tpu.memory_space<semaphore_mem>>) src(%arg12 : memref<64x128xf32, #tpu.memory_space<vmem>>) dst(%dma_wait3A_169 : memref<10240x128xf32, #tpu.memory_space<vmem_shared>>)
        %dma_wait3A_170 = arith.constant 0 : i32
        %dma_wait3A_171 = tpu.memref_slice %arg11[%add3A_73, %dma_wait3A_170] : memref<8x64xi32, #tpu.memory_space<vmem>> -> memref<1x64xi32, #tpu.memory_space<vmem>>
        %dma_wait3A_172 = tpu.memref_squeeze %dma_wait3A_171 : memref<1x64xi32, #tpu.memory_space<vmem>> -> memref<64xi32, #tpu.memory_space<vmem>>
        %dma_wait3A_173 = arith.constant 0 : i32
        %dma_wait3A_174 = arith.constant 0 : i32
        %dma_wait3A_175 = tpu.memref_slice %arg17[%dma_wait3A_173, %dma_wait3A_174] : memref<10240x128xf32, #tpu.memory_space<vmem_shared>> -> memref<10240x128xf32, #tpu.memory_space<vmem_shared>>
        tpu.wait_indirect_dma semaphore(%arg21 : memref<!tpu.dma_semaphore, #tpu.memory_space<semaphore_mem>>) src(%arg13 : memref<64x128xf32, #tpu.memory_space<vmem>>) dst(%dma_wait3A_175 : memref<10240x128xf32, #tpu.memory_space<vmem_shared>>)
        %add3A_176 = arith.constant 2 : i32
        %add3A_177 = arith.addi %add3A_73, %add3A_176 : i32
        %lt3A = arith.constant 8 : i32
        %lt3A_178 = arith.cmpi slt, %add3A_177, %lt3A : i32
        %convert_element_type3A = arith.extui %lt3A_178 : i1 to i32
        %cond3A = arith.constant 0 : i32
        %cond3A_179 = arith.cmpi ne, %convert_element_type3A, %cond3A : i32
        scf.if %cond3A_179 {
          %add3A_194 = arith.constant 2 : i32
          %add3A_195 = arith.addi %add3A_73, %add3A_194 : i32
          %dma_start3A_196 = arith.constant 0 : i32
          %dma_start3A_197 = tpu.memref_slice %arg9[%add3A_195, %dma_start3A_196] : memref<8x64xi32, #tpu.memory_space<vmem>> -> memref<1x64xi32, #tpu.memory_space<vmem>>
          %dma_start3A_198 = tpu.memref_squeeze %dma_start3A_197 : memref<1x64xi32, #tpu.memory_space<vmem>> -> memref<64xi32, #tpu.memory_space<vmem>>
          %dma_start3A_199 = arith.constant 0 : i32
          %dma_start3A_200 = arith.constant 0 : i32
          %dma_start3A_201 = tpu.memref_slice %arg2[%dma_start3A_199, %dma_start3A_200] : memref<400x128xf32, #tpu.memory_space<hbm>> -> memref<400x128xf32, #tpu.memory_space<hbm>>
          tpu.enqueue_indirect_dma source(%dma_start3A_201 : memref<400x128xf32, #tpu.memory_space<hbm>>) target(%arg12 : memref<64x128xf32, #tpu.memory_space<vmem>>) offsets(%dma_start3A_198 : memref<64xi32, #tpu.memory_space<vmem>>) semaphore(%arg18 : memref<!tpu.dma_semaphore, #tpu.memory_space<semaphore_mem>>)
          %dma_start3A_202 = arith.constant 0 : i32
          %dma_start3A_203 = tpu.memref_slice %arg10[%add3A_195, %dma_start3A_202] : memref<8x64xi32, #tpu.memory_space<vmem>> -> memref<1x64xi32, #tpu.memory_space<vmem>>
          %dma_start3A_204 = tpu.memref_squeeze %dma_start3A_203 : memref<1x64xi32, #tpu.memory_space<vmem>> -> memref<64xi32, #tpu.memory_space<vmem>>
          %dma_start3A_205 = arith.constant 0 : i32
          %dma_start3A_206 = arith.constant 0 : i32
          %dma_start3A_207 = tpu.memref_slice %arg3[%dma_start3A_205, %dma_start3A_206] : memref<20000x128xf32, #tpu.memory_space<hbm>> -> memref<20000x128xf32, #tpu.memory_space<hbm>>
          tpu.enqueue_indirect_dma source(%dma_start3A_207 : memref<20000x128xf32, #tpu.memory_space<hbm>>) target(%arg13 : memref<64x128xf32, #tpu.memory_space<vmem>>) offsets(%dma_start3A_204 : memref<64xi32, #tpu.memory_space<vmem>>) semaphore(%arg19 : memref<!tpu.dma_semaphore, #tpu.memory_space<semaphore_mem>>)
        } else {
        }
        %add3A_180 = arith.constant 1 : i32
        %add3A_181 = arith.addi %add3A_73, %add3A_180 : i32
        %dma_wait3A_182 = arith.constant 0 : i32
        %dma_wait3A_183 = tpu.memref_slice %arg11[%add3A_181, %dma_wait3A_182] : memref<8x64xi32, #tpu.memory_space<vmem>> -> memref<1x64xi32, #tpu.memory_space<vmem>>
        %dma_wait3A_184 = tpu.memref_squeeze %dma_wait3A_183 : memref<1x64xi32, #tpu.memory_space<vmem>> -> memref<64xi32, #tpu.memory_space<vmem>>
        %dma_wait3A_185 = arith.constant 0 : i32
        %dma_wait3A_186 = arith.constant 0 : i32
        %dma_wait3A_187 = tpu.memref_slice %arg17[%dma_wait3A_185, %dma_wait3A_186] : memref<10240x128xf32, #tpu.memory_space<vmem_shared>> -> memref<10240x128xf32, #tpu.memory_space<vmem_shared>>
        tpu.wait_indirect_dma semaphore(%arg24 : memref<!tpu.dma_semaphore, #tpu.memory_space<semaphore_mem>>) src(%arg14 : memref<64x128xf32, #tpu.memory_space<vmem>>) dst(%dma_wait3A_187 : memref<10240x128xf32, #tpu.memory_space<vmem_shared>>)
        %dma_wait3A_188 = arith.constant 0 : i32
        %dma_wait3A_189 = tpu.memref_slice %arg11[%add3A_181, %dma_wait3A_188] : memref<8x64xi32, #tpu.memory_space<vmem>> -> memref<1x64xi32, #tpu.memory_space<vmem>>
        %dma_wait3A_190 = tpu.memref_squeeze %dma_wait3A_189 : memref<1x64xi32, #tpu.memory_space<vmem>> -> memref<64xi32, #tpu.memory_space<vmem>>
        %dma_wait3A_191 = arith.constant 0 : i32
        %dma_wait3A_192 = arith.constant 0 : i32
        %dma_wait3A_193 = tpu.memref_slice %arg17[%dma_wait3A_191, %dma_wait3A_192] : memref<10240x128xf32, #tpu.memory_space<vmem_shared>> -> memref<10240x128xf32, #tpu.memory_space<vmem_shared>>
        tpu.wait_indirect_dma semaphore(%arg25 : memref<!tpu.dma_semaphore, #tpu.memory_space<semaphore_mem>>) src(%arg15 : memref<64x128xf32, #tpu.memory_space<vmem>>) dst(%dma_wait3A_193 : memref<10240x128xf32, #tpu.memory_space<vmem_shared>>)
      }
      %scan3A_68 = arith.constant 4 : i32
    }
    %while3A_43 = arith.constant 1 : i32
    scf.for %while3A_45 = %while3A_41 to %while3A_37 step %while3A_43  : i32 {
      %mul3A_46 = arith.muli %while3A_45, %while3A : i32
      %add3A_47 = arith.addi %while3A_34, %mul3A_46 : i32
      %add3A_48 = arith.addi %select_n3A_10, %add3A_47 : i32
      "tpu.region"() ({
        %run_scoped3A = tpu.sem_alloc : memref<!tpu.dma_semaphore, #tpu.memory_space<semaphore_mem>>
        %dma_start3A_69 = arith.constant 0 : i32
        %dma_start3A_70 = tpu.memref_slice %arg4[%add3A_48, %dma_start3A_69] : memref<5120x64xi32, #tpu.memory_space<hbm>> -> memref<8x64xi32, #tpu.memory_space<hbm>>
        %dma_start3A_71 = arith.constant 0 : i32
        %dma_start3A_72 = tpu.memref_slice %arg4[%add3A_48, %dma_start3A_71] : memref<5120x64xi32, #tpu.memory_space<hbm>> -> memref<8x64xi32, #tpu.memory_space<hbm>>
        tpu.enqueue_dma source(%dma_start3A_72 : memref<8x64xi32, #tpu.memory_space<hbm>>) target(%arg9 : memref<8x64xi32, #tpu.memory_space<vmem>>) target_semaphore(%run_scoped3A : memref<!tpu.dma_semaphore, #tpu.memory_space<semaphore_mem>>)
        %dma_wait3A = arith.constant 0 : i32
        %dma_wait3A_73 = tpu.memref_slice %arg4[%add3A_48, %dma_wait3A] : memref<5120x64xi32, #tpu.memory_space<hbm>> -> memref<8x64xi32, #tpu.memory_space<hbm>>
        %dma_wait3A_74 = arith.constant 0 : i32
        %dma_wait3A_75 = tpu.memref_slice %arg4[%add3A_48, %dma_wait3A_74] : memref<5120x64xi32, #tpu.memory_space<hbm>> -> memref<8x64xi32, #tpu.memory_space<hbm>>
        tpu.wait_dma2 semaphore(%run_scoped3A : memref<!tpu.dma_semaphore, #tpu.memory_space<semaphore_mem>>) src(%dma_wait3A_75 : memref<8x64xi32, #tpu.memory_space<hbm>>) dst(%arg9 : memref<8x64xi32, #tpu.memory_space<vmem>>)
        tpu.yield
      }) : () -> ()
      %add3A_49 = arith.addi %select_n3A_10, %add3A_47 : i32
      "tpu.region"() ({
        %run_scoped3A = tpu.sem_alloc : memref<!tpu.dma_semaphore, #tpu.memory_space<semaphore_mem>>
        %dma_start3A_69 = arith.constant 0 : i32
        %dma_start3A_70 = tpu.memref_slice %arg5[%add3A_49, %dma_start3A_69] : memref<5120x64xi32, #tpu.memory_space<hbm>> -> memref<8x64xi32, #tpu.memory_space<hbm>>
        %dma_start3A_71 = arith.constant 0 : i32
        %dma_start3A_72 = tpu.memref_slice %arg5[%add3A_49, %dma_start3A_71] : memref<5120x64xi32, #tpu.memory_space<hbm>> -> memref<8x64xi32, #tpu.memory_space<hbm>>
        tpu.enqueue_dma source(%dma_start3A_72 : memref<8x64xi32, #tpu.memory_space<hbm>>) target(%arg10 : memref<8x64xi32, #tpu.memory_space<vmem>>) target_semaphore(%run_scoped3A : memref<!tpu.dma_semaphore, #tpu.memory_space<semaphore_mem>>)
        %dma_wait3A = arith.constant 0 : i32
        %dma_wait3A_73 = tpu.memref_slice %arg5[%add3A_49, %dma_wait3A] : memref<5120x64xi32, #tpu.memory_space<hbm>> -> memref<8x64xi32, #tpu.memory_space<hbm>>
        %dma_wait3A_74 = arith.constant 0 : i32
        %dma_wait3A_75 = tpu.memref_slice %arg5[%add3A_49, %dma_wait3A_74] : memref<5120x64xi32, #tpu.memory_space<hbm>> -> memref<8x64xi32, #tpu.memory_space<hbm>>
        tpu.wait_dma2 semaphore(%run_scoped3A : memref<!tpu.dma_semaphore, #tpu.memory_space<semaphore_mem>>) src(%dma_wait3A_75 : memref<8x64xi32, #tpu.memory_space<hbm>>) dst(%arg10 : memref<8x64xi32, #tpu.memory_space<vmem>>)
        tpu.yield
      }) : () -> ()
      %add3A_50 = arith.addi %select_n3A_10, %add3A_47 : i32
      "tpu.region"() ({
        %run_scoped3A = tpu.sem_alloc : memref<!tpu.dma_semaphore, #tpu.memory_space<semaphore_mem>>
        %dma_start3A_69 = arith.constant 0 : i32
        %dma_start3A_70 = tpu.memref_slice %arg6[%add3A_50, %dma_start3A_69] : memref<5120x64xi32, #tpu.memory_space<hbm>> -> memref<8x64xi32, #tpu.memory_space<hbm>>
        %dma_start3A_71 = arith.constant 0 : i32
        %dma_start3A_72 = tpu.memref_slice %arg6[%add3A_50, %dma_start3A_71] : memref<5120x64xi32, #tpu.memory_space<hbm>> -> memref<8x64xi32, #tpu.memory_space<hbm>>
        tpu.enqueue_dma source(%dma_start3A_72 : memref<8x64xi32, #tpu.memory_space<hbm>>) target(%arg11 : memref<8x64xi32, #tpu.memory_space<vmem>>) target_semaphore(%run_scoped3A : memref<!tpu.dma_semaphore, #tpu.memory_space<semaphore_mem>>)
        %dma_wait3A = arith.constant 0 : i32
        %dma_wait3A_73 = tpu.memref_slice %arg6[%add3A_50, %dma_wait3A] : memref<5120x64xi32, #tpu.memory_space<hbm>> -> memref<8x64xi32, #tpu.memory_space<hbm>>
        %dma_wait3A_74 = arith.constant 0 : i32
        %dma_wait3A_75 = tpu.memref_slice %arg6[%add3A_50, %dma_wait3A_74] : memref<5120x64xi32, #tpu.memory_space<hbm>> -> memref<8x64xi32, #tpu.memory_space<hbm>>
        tpu.wait_dma2 semaphore(%run_scoped3A : memref<!tpu.dma_semaphore, #tpu.memory_space<semaphore_mem>>) src(%dma_wait3A_75 : memref<8x64xi32, #tpu.memory_space<hbm>>) dst(%arg11 : memref<8x64xi32, #tpu.memory_space<vmem>>)
        tpu.yield
      }) : () -> ()
      %dma_start3A = arith.constant 0 : i32
      %dma_start3A_51 = arith.constant 0 : i32
      %dma_start3A_52 = tpu.memref_slice %arg9[%dma_start3A, %dma_start3A_51] : memref<8x64xi32, #tpu.memory_space<vmem>> -> memref<1x64xi32, #tpu.memory_space<vmem>>
      %dma_start3A_53 = tpu.memref_squeeze %dma_start3A_52 : memref<1x64xi32, #tpu.memory_space<vmem>> -> memref<64xi32, #tpu.memory_space<vmem>>
      %dma_start3A_54 = arith.constant 0 : i32
      %dma_start3A_55 = arith.constant 0 : i32
      %dma_start3A_56 = tpu.memref_slice %arg2[%dma_start3A_54, %dma_start3A_55] : memref<400x128xf32, #tpu.memory_space<hbm>> -> memref<400x128xf32, #tpu.memory_space<hbm>>
      tpu.enqueue_indirect_dma source(%dma_start3A_56 : memref<400x128xf32, #tpu.memory_space<hbm>>) target(%arg12 : memref<64x128xf32, #tpu.memory_space<vmem>>) offsets(%dma_start3A_53 : memref<64xi32, #tpu.memory_space<vmem>>) semaphore(%arg18 : memref<!tpu.dma_semaphore, #tpu.memory_space<semaphore_mem>>)
      %dma_start3A_57 = arith.constant 0 : i32
      %dma_start3A_58 = arith.constant 0 : i32
      %dma_start3A_59 = tpu.memref_slice %arg10[%dma_start3A_57, %dma_start3A_58] : memref<8x64xi32, #tpu.memory_space<vmem>> -> memref<1x64xi32, #tpu.memory_space<vmem>>
      %dma_start3A_60 = tpu.memref_squeeze %dma_start3A_59 : memref<1x64xi32, #tpu.memory_space<vmem>> -> memref<64xi32, #tpu.memory_space<vmem>>
      %dma_start3A_61 = arith.constant 0 : i32
      %dma_start3A_62 = arith.constant 0 : i32
      %dma_start3A_63 = tpu.memref_slice %arg3[%dma_start3A_61, %dma_start3A_62] : memref<20000x128xf32, #tpu.memory_space<hbm>> -> memref<20000x128xf32, #tpu.memory_space<hbm>>
      tpu.enqueue_indirect_dma source(%dma_start3A_63 : memref<20000x128xf32, #tpu.memory_space<hbm>>) target(%arg13 : memref<64x128xf32, #tpu.memory_space<vmem>>) offsets(%dma_start3A_60 : memref<64xi32, #tpu.memory_space<vmem>>) semaphore(%arg19 : memref<!tpu.dma_semaphore, #tpu.memory_space<semaphore_mem>>)
      %scan3A_64 = arith.constant 0 : i32
      %scan3A_65 = arith.constant 4 : i32
      %scan3A_66 = arith.addi %scan3A_64, %scan3A_65 : i32
      %scan3A_67 = arith.constant 1 : i32
      scf.for %scan3A_69 = %scan3A_64 to %scan3A_66 step %scan3A_67  : i32 {
        %mul3A_70 = arith.constant 2 : i32
        %mul3A_71 = arith.muli %scan3A_69, %mul3A_70 : i32
        %add3A_72 = arith.constant 0 : i32
        %add3A_73 = arith.addi %add3A_72, %mul3A_71 : i32
        %add3A_74 = arith.constant 1 : i32
        %add3A_75 = arith.addi %add3A_73, %add3A_74 : i32
        %dma_start3A_76 = arith.constant 0 : i32
        %dma_start3A_77 = tpu.memref_slice %arg9[%add3A_75, %dma_start3A_76] : memref<8x64xi32, #tpu.memory_space<vmem>> -> memref<1x64xi32, #tpu.memory_space<vmem>>
        %dma_start3A_78 = tpu.memref_squeeze %dma_start3A_77 : memref<1x64xi32, #tpu.memory_space<vmem>> -> memref<64xi32, #tpu.memory_space<vmem>>
        %dma_start3A_79 = arith.constant 0 : i32
        %dma_start3A_80 = arith.constant 0 : i32
        %dma_start3A_81 = tpu.memref_slice %arg2[%dma_start3A_79, %dma_start3A_80] : memref<400x128xf32, #tpu.memory_space<hbm>> -> memref<400x128xf32, #tpu.memory_space<hbm>>
        tpu.enqueue_indirect_dma source(%dma_start3A_81 : memref<400x128xf32, #tpu.memory_space<hbm>>) target(%arg14 : memref<64x128xf32, #tpu.memory_space<vmem>>) offsets(%dma_start3A_78 : memref<64xi32, #tpu.memory_space<vmem>>) semaphore(%arg22 : memref<!tpu.dma_semaphore, #tpu.memory_space<semaphore_mem>>)
        %dma_start3A_82 = arith.constant 0 : i32
        %dma_start3A_83 = tpu.memref_slice %arg10[%add3A_75, %dma_start3A_82] : memref<8x64xi32, #tpu.memory_space<vmem>> -> memref<1x64xi32, #tpu.memory_space<vmem>>
        %dma_start3A_84 = tpu.memref_squeeze %dma_start3A_83 : memref<1x64xi32, #tpu.memory_space<vmem>> -> memref<64xi32, #tpu.memory_space<vmem>>
        %dma_start3A_85 = arith.constant 0 : i32
        %dma_start3A_86 = arith.constant 0 : i32
        %dma_start3A_87 = tpu.memref_slice %arg3[%dma_start3A_85, %dma_start3A_86] : memref<20000x128xf32, #tpu.memory_space<hbm>> -> memref<20000x128xf32, #tpu.memory_space<hbm>>
        tpu.enqueue_indirect_dma source(%dma_start3A_87 : memref<20000x128xf32, #tpu.memory_space<hbm>>) target(%arg15 : memref<64x128xf32, #tpu.memory_space<vmem>>) offsets(%dma_start3A_84 : memref<64xi32, #tpu.memory_space<vmem>>) semaphore(%arg23 : memref<!tpu.dma_semaphore, #tpu.memory_space<semaphore_mem>>)
        %get3A = arith.index_cast %add3A_73 : i32 to index
        %get3A_88 = arith.constant 0 : index
        %get3A_89 = tpu.vector_load %arg11[%get3A, %get3A_88] {strides = array<i32>} : memref<8x64xi32, #tpu.memory_space<vmem>>, vector<16xi32>,
        tpu.vector_store_idx %arg16[%get3A_89], %broadcast_in_dim3A_13 {add = true} : memref<10240xf32, #tpu.memory_space<vmem>>[vector<16xi32>], vector<16xf32>,
        %get3A_90 = arith.index_cast %add3A_73 : i32 to index
        %get3A_91 = arith.constant 16 : index
        %get3A_92 = tpu.vector_load %arg11[%get3A_90, %get3A_91] {strides = array<i32>} : memref<8x64xi32, #tpu.memory_space<vmem>>, vector<16xi32>,
        tpu.vector_store_idx %arg16[%get3A_92], %broadcast_in_dim3A_13 {add = true} : memref<10240xf32, #tpu.memory_space<vmem>>[vector<16xi32>], vector<16xf32>,
        %get3A_93 = arith.index_cast %add3A_73 : i32 to index
        %get3A_94 = arith.constant 32 : index
        %get3A_95 = tpu.vector_load %arg11[%get3A_93, %get3A_94] {strides = array<i32>} : memref<8x64xi32, #tpu.memory_space<vmem>>, vector<16xi32>,
        tpu.vector_store_idx %arg16[%get3A_95], %broadcast_in_dim3A_13 {add = true} : memref<10240xf32, #tpu.memory_space<vmem>>[vector<16xi32>], vector<16xf32>,
        %get3A_96 = arith.index_cast %add3A_73 : i32 to index
        %get3A_97 = arith.constant 48 : index
        %get3A_98 = tpu.vector_load %arg11[%get3A_96, %get3A_97] {strides = array<i32>} : memref<8x64xi32, #tpu.memory_space<vmem>>, vector<16xi32>,
        tpu.vector_store_idx %arg16[%get3A_98], %broadcast_in_dim3A_13 {add = true} : memref<10240xf32, #tpu.memory_space<vmem>>[vector<16xi32>], vector<16xf32>,
        %add3A_99 = arith.constant 1 : i32
        %add3A_100 = arith.addi %add3A_73, %add3A_99 : i32
        %get3A_101 = arith.index_cast %add3A_100 : i32 to index
        %get3A_102 = arith.constant 0 : index
        %get3A_103 = tpu.vector_load %arg11[%get3A_101, %get3A_102] {strides = array<i32>} : memref<8x64xi32, #tpu.memory_space<vmem>>, vector<16xi32>,
        tpu.vector_store_idx %arg16[%get3A_103], %broadcast_in_dim3A_13 {add = true} : memref<10240xf32, #tpu.memory_space<vmem>>[vector<16xi32>], vector<16xf32>,
        %get3A_104 = arith.index_cast %add3A_100 : i32 to index
        %get3A_105 = arith.constant 16 : index
        %get3A_106 = tpu.vector_load %arg11[%get3A_104, %get3A_105] {strides = array<i32>} : memref<8x64xi32, #tpu.memory_space<vmem>>, vector<16xi32>,
        tpu.vector_store_idx %arg16[%get3A_106], %broadcast_in_dim3A_13 {add = true} : memref<10240xf32, #tpu.memory_space<vmem>>[vector<16xi32>], vector<16xf32>,
        %get3A_107 = arith.index_cast %add3A_100 : i32 to index
        %get3A_108 = arith.constant 32 : index
        %get3A_109 = tpu.vector_load %arg11[%get3A_107, %get3A_108] {strides = array<i32>} : memref<8x64xi32, #tpu.memory_space<vmem>>, vector<16xi32>,
        tpu.vector_store_idx %arg16[%get3A_109], %broadcast_in_dim3A_13 {add = true} : memref<10240xf32, #tpu.memory_space<vmem>>[vector<16xi32>], vector<16xf32>,
        %get3A_110 = arith.index_cast %add3A_100 : i32 to index
        %get3A_111 = arith.constant 48 : index
        %get3A_112 = tpu.vector_load %arg11[%get3A_110, %get3A_111] {strides = array<i32>} : memref<8x64xi32, #tpu.memory_space<vmem>>, vector<16xi32>,
        tpu.vector_store_idx %arg16[%get3A_112], %broadcast_in_dim3A_13 {add = true} : memref<10240xf32, #tpu.memory_space<vmem>>[vector<16xi32>], vector<16xf32>,
        %dma_wait3A = arith.constant 0 : i32
        %dma_wait3A_113 = tpu.memref_slice %arg9[%add3A_73, %dma_wait3A] : memref<8x64xi32, #tpu.memory_space<vmem>> -> memref<1x64xi32, #tpu.memory_space<vmem>>
        %dma_wait3A_114 = tpu.memref_squeeze %dma_wait3A_113 : memref<1x64xi32, #tpu.memory_space<vmem>> -> memref<64xi32, #tpu.memory_space<vmem>>
        %dma_wait3A_115 = arith.constant 0 : i32
        %dma_wait3A_116 = arith.constant 0 : i32
        %dma_wait3A_117 = tpu.memref_slice %arg2[%dma_wait3A_115, %dma_wait3A_116] : memref<400x128xf32, #tpu.memory_space<hbm>> -> memref<400x128xf32, #tpu.memory_space<hbm>>
        tpu.wait_indirect_dma semaphore(%arg18 : memref<!tpu.dma_semaphore, #tpu.memory_space<semaphore_mem>>) src(%dma_wait3A_117 : memref<400x128xf32, #tpu.memory_space<hbm>>) dst(%arg12 : memref<64x128xf32, #tpu.memory_space<vmem>>)
        %dma_wait3A_118 = arith.constant 0 : i32
        %dma_wait3A_119 = tpu.memref_slice %arg10[%add3A_73, %dma_wait3A_118] : memref<8x64xi32, #tpu.memory_space<vmem>> -> memref<1x64xi32, #tpu.memory_space<vmem>>
        %dma_wait3A_120 = tpu.memref_squeeze %dma_wait3A_119 : memref<1x64xi32, #tpu.memory_space<vmem>> -> memref<64xi32, #tpu.memory_space<vmem>>
        %dma_wait3A_121 = arith.constant 0 : i32
        %dma_wait3A_122 = arith.constant 0 : i32
        %dma_wait3A_123 = tpu.memref_slice %arg3[%dma_wait3A_121, %dma_wait3A_122] : memref<20000x128xf32, #tpu.memory_space<hbm>> -> memref<20000x128xf32, #tpu.memory_space<hbm>>
        tpu.wait_indirect_dma semaphore(%arg19 : memref<!tpu.dma_semaphore, #tpu.memory_space<semaphore_mem>>) src(%dma_wait3A_123 : memref<20000x128xf32, #tpu.memory_space<hbm>>) dst(%arg13 : memref<64x128xf32, #tpu.memory_space<vmem>>)
        %dma_start3A_124 = arith.constant 0 : i32
        %dma_start3A_125 = tpu.memref_slice %arg11[%add3A_73, %dma_start3A_124] : memref<8x64xi32, #tpu.memory_space<vmem>> -> memref<1x64xi32, #tpu.memory_space<vmem>>
        %dma_start3A_126 = tpu.memref_squeeze %dma_start3A_125 : memref<1x64xi32, #tpu.memory_space<vmem>> -> memref<64xi32, #tpu.memory_space<vmem>>
        %dma_start3A_127 = arith.constant 0 : i32
        %dma_start3A_128 = arith.constant 0 : i32
        %dma_start3A_129 = tpu.memref_slice %arg17[%dma_start3A_127, %dma_start3A_128] : memref<10240x128xf32, #tpu.memory_space<vmem_shared>> -> memref<10240x128xf32, #tpu.memory_space<vmem_shared>>
        tpu.enqueue_indirect_dma source(%arg12 : memref<64x128xf32, #tpu.memory_space<vmem>>) target(%dma_start3A_129 : memref<10240x128xf32, #tpu.memory_space<vmem_shared>>) offsets(%dma_start3A_126 : memref<64xi32, #tpu.memory_space<vmem>>) semaphore(%arg20 : memref<!tpu.dma_semaphore, #tpu.memory_space<semaphore_mem>>) {add = true}
        %dma_start3A_130 = arith.constant 0 : i32
        %dma_start3A_131 = tpu.memref_slice %arg11[%add3A_73, %dma_start3A_130] : memref<8x64xi32, #tpu.memory_space<vmem>> -> memref<1x64xi32, #tpu.memory_space<vmem>>
        %dma_start3A_132 = tpu.memref_squeeze %dma_start3A_131 : memref<1x64xi32, #tpu.memory_space<vmem>> -> memref<64xi32, #tpu.memory_space<vmem>>
        %dma_start3A_133 = arith.constant 0 : i32
        %dma_start3A_134 = arith.constant 0 : i32
        %dma_start3A_135 = tpu.memref_slice %arg17[%dma_start3A_133, %dma_start3A_134] : memref<10240x128xf32, #tpu.memory_space<vmem_shared>> -> memref<10240x128xf32, #tpu.memory_space<vmem_shared>>
        tpu.enqueue_indirect_dma source(%arg13 : memref<64x128xf32, #tpu.memory_space<vmem>>) target(%dma_start3A_135 : memref<10240x128xf32, #tpu.memory_space<vmem_shared>>) offsets(%dma_start3A_132 : memref<64xi32, #tpu.memory_space<vmem>>) semaphore(%arg21 : memref<!tpu.dma_semaphore, #tpu.memory_space<semaphore_mem>>) {add = true}
        %add3A_136 = arith.constant 1 : i32
        %add3A_137 = arith.addi %add3A_73, %add3A_136 : i32
        %dma_wait3A_138 = arith.constant 0 : i32
        %dma_wait3A_139 = tpu.memref_slice %arg9[%add3A_137, %dma_wait3A_138] : memref<8x64xi32, #tpu.memory_space<vmem>> -> memref<1x64xi32, #tpu.memory_space<vmem>>
        %dma_wait3A_140 = tpu.memref_squeeze %dma_wait3A_139 : memref<1x64xi32, #tpu.memory_space<vmem>> -> memref<64xi32, #tpu.memory_space<vmem>>
        %dma_wait3A_141 = arith.constant 0 : i32
        %dma_wait3A_142 = arith.constant 0 : i32
        %dma_wait3A_143 = tpu.memref_slice %arg2[%dma_wait3A_141, %dma_wait3A_142] : memref<400x128xf32, #tpu.memory_space<hbm>> -> memref<400x128xf32, #tpu.memory_space<hbm>>
        tpu.wait_indirect_dma semaphore(%arg22 : memref<!tpu.dma_semaphore, #tpu.memory_space<semaphore_mem>>) src(%dma_wait3A_143 : memref<400x128xf32, #tpu.memory_space<hbm>>) dst(%arg14 : memref<64x128xf32, #tpu.memory_space<vmem>>)
        %dma_wait3A_144 = arith.constant 0 : i32
        %dma_wait3A_145 = tpu.memref_slice %arg10[%add3A_137, %dma_wait3A_144] : memref<8x64xi32, #tpu.memory_space<vmem>> -> memref<1x64xi32, #tpu.memory_space<vmem>>
        %dma_wait3A_146 = tpu.memref_squeeze %dma_wait3A_145 : memref<1x64xi32, #tpu.memory_space<vmem>> -> memref<64xi32, #tpu.memory_space<vmem>>
        %dma_wait3A_147 = arith.constant 0 : i32
        %dma_wait3A_148 = arith.constant 0 : i32
        %dma_wait3A_149 = tpu.memref_slice %arg3[%dma_wait3A_147, %dma_wait3A_148] : memref<20000x128xf32, #tpu.memory_space<hbm>> -> memref<20000x128xf32, #tpu.memory_space<hbm>>
        tpu.wait_indirect_dma semaphore(%arg23 : memref<!tpu.dma_semaphore, #tpu.memory_space<semaphore_mem>>) src(%dma_wait3A_149 : memref<20000x128xf32, #tpu.memory_space<hbm>>) dst(%arg15 : memref<64x128xf32, #tpu.memory_space<vmem>>)
        %add3A_150 = arith.constant 1 : i32
        %add3A_151 = arith.addi %add3A_73, %add3A_150 : i32
        %dma_start3A_152 = arith.constant 0 : i32
        %dma_start3A_153 = tpu.memref_slice %arg11[%add3A_151, %dma_start3A_152] : memref<8x64xi32, #tpu.memory_space<vmem>> -> memref<1x64xi32, #tpu.memory_space<vmem>>
        %dma_start3A_154 = tpu.memref_squeeze %dma_start3A_153 : memref<1x64xi32, #tpu.memory_space<vmem>> -> memref<64xi32, #tpu.memory_space<vmem>>
        %dma_start3A_155 = arith.constant 0 : i32
        %dma_start3A_156 = arith.constant 0 : i32
        %dma_start3A_157 = tpu.memref_slice %arg17[%dma_start3A_155, %dma_start3A_156] : memref<10240x128xf32, #tpu.memory_space<vmem_shared>> -> memref<10240x128xf32, #tpu.memory_space<vmem_shared>>
        tpu.enqueue_indirect_dma source(%arg14 : memref<64x128xf32, #tpu.memory_space<vmem>>) target(%dma_start3A_157 : memref<10240x128xf32, #tpu.memory_space<vmem_shared>>) offsets(%dma_start3A_154 : memref<64xi32, #tpu.memory_space<vmem>>) semaphore(%arg24 : memref<!tpu.dma_semaphore, #tpu.memory_space<semaphore_mem>>) {add = true}
        %dma_start3A_158 = arith.constant 0 : i32
        %dma_start3A_159 = tpu.memref_slice %arg11[%add3A_151, %dma_start3A_158] : memref<8x64xi32, #tpu.memory_space<vmem>> -> memref<1x64xi32, #tpu.memory_space<vmem>>
        %dma_start3A_160 = tpu.memref_squeeze %dma_start3A_159 : memref<1x64xi32, #tpu.memory_space<vmem>> -> memref<64xi32, #tpu.memory_space<vmem>>
        %dma_start3A_161 = arith.constant 0 : i32
        %dma_start3A_162 = arith.constant 0 : i32
        %dma_start3A_163 = tpu.memref_slice %arg17[%dma_start3A_161, %dma_start3A_162] : memref<10240x128xf32, #tpu.memory_space<vmem_shared>> -> memref<10240x128xf32, #tpu.memory_space<vmem_shared>>
        tpu.enqueue_indirect_dma source(%arg15 : memref<64x128xf32, #tpu.memory_space<vmem>>) target(%dma_start3A_163 : memref<10240x128xf32, #tpu.memory_space<vmem_shared>>) offsets(%dma_start3A_160 : memref<64xi32, #tpu.memory_space<vmem>>) semaphore(%arg25 : memref<!tpu.dma_semaphore, #tpu.memory_space<semaphore_mem>>) {add = true}
        %dma_wait3A_164 = arith.constant 0 : i32
        %dma_wait3A_165 = tpu.memref_slice %arg11[%add3A_73, %dma_wait3A_164] : memref<8x64xi32, #tpu.memory_space<vmem>> -> memref<1x64xi32, #tpu.memory_space<vmem>>
        %dma_wait3A_166 = tpu.memref_squeeze %dma_wait3A_165 : memref<1x64xi32, #tpu.memory_space<vmem>> -> memref<64xi32, #tpu.memory_space<vmem>>
        %dma_wait3A_167 = arith.constant 0 : i32
        %dma_wait3A_168 = arith.constant 0 : i32
        %dma_wait3A_169 = tpu.memref_slice %arg17[%dma_wait3A_167, %dma_wait3A_168] : memref<10240x128xf32, #tpu.memory_space<vmem_shared>> -> memref<10240x128xf32, #tpu.memory_space<vmem_shared>>
        tpu.wait_indirect_dma semaphore(%arg20 : memref<!tpu.dma_semaphore, #tpu.memory_space<semaphore_mem>>) src(%arg12 : memref<64x128xf32, #tpu.memory_space<vmem>>) dst(%dma_wait3A_169 : memref<10240x128xf32, #tpu.memory_space<vmem_shared>>)
        %dma_wait3A_170 = arith.constant 0 : i32
        %dma_wait3A_171 = tpu.memref_slice %arg11[%add3A_73, %dma_wait3A_170] : memref<8x64xi32, #tpu.memory_space<vmem>> -> memref<1x64xi32, #tpu.memory_space<vmem>>
        %dma_wait3A_172 = tpu.memref_squeeze %dma_wait3A_171 : memref<1x64xi32, #tpu.memory_space<vmem>> -> memref<64xi32, #tpu.memory_space<vmem>>
        %dma_wait3A_173 = arith.constant 0 : i32
        %dma_wait3A_174 = arith.constant 0 : i32
        %dma_wait3A_175 = tpu.memref_slice %arg17[%dma_wait3A_173, %dma_wait3A_174] : memref<10240x128xf32, #tpu.memory_space<vmem_shared>> -> memref<10240x128xf32, #tpu.memory_space<vmem_shared>>
        tpu.wait_indirect_dma semaphore(%arg21 : memref<!tpu.dma_semaphore, #tpu.memory_space<semaphore_mem>>) src(%arg13 : memref<64x128xf32, #tpu.memory_space<vmem>>) dst(%dma_wait3A_175 : memref<10240x128xf32, #tpu.memory_space<vmem_shared>>)
        %add3A_176 = arith.constant 2 : i32
        %add3A_177 = arith.addi %add3A_73, %add3A_176 : i32
        %lt3A = arith.constant 8 : i32
        %lt3A_178 = arith.cmpi slt, %add3A_177, %lt3A : i32
        %convert_element_type3A = arith.extui %lt3A_178 : i1 to i32
        %cond3A = arith.constant 0 : i32
        %cond3A_179 = arith.cmpi ne, %convert_element_type3A, %cond3A : i32
        scf.if %cond3A_179 {
          %add3A_194 = arith.constant 2 : i32
          %add3A_195 = arith.addi %add3A_73, %add3A_194 : i32
          %dma_start3A_196 = arith.constant 0 : i32
          %dma_start3A_197 = tpu.memref_slice %arg9[%add3A_195, %dma_start3A_196] : memref<8x64xi32, #tpu.memory_space<vmem>> -> memref<1x64xi32, #tpu.memory_space<vmem>>
          %dma_start3A_198 = tpu.memref_squeeze %dma_start3A_197 : memref<1x64xi32, #tpu.memory_space<vmem>> -> memref<64xi32, #tpu.memory_space<vmem>>
          %dma_start3A_199 = arith.constant 0 : i32
          %dma_start3A_200 = arith.constant 0 : i32
          %dma_start3A_201 = tpu.memref_slice %arg2[%dma_start3A_199, %dma_start3A_200] : memref<400x128xf32, #tpu.memory_space<hbm>> -> memref<400x128xf32, #tpu.memory_space<hbm>>
          tpu.enqueue_indirect_dma source(%dma_start3A_201 : memref<400x128xf32, #tpu.memory_space<hbm>>) target(%arg12 : memref<64x128xf32, #tpu.memory_space<vmem>>) offsets(%dma_start3A_198 : memref<64xi32, #tpu.memory_space<vmem>>) semaphore(%arg18 : memref<!tpu.dma_semaphore, #tpu.memory_space<semaphore_mem>>)
          %dma_start3A_202 = arith.constant 0 : i32
          %dma_start3A_203 = tpu.memref_slice %arg10[%add3A_195, %dma_start3A_202] : memref<8x64xi32, #tpu.memory_space<vmem>> -> memref<1x64xi32, #tpu.memory_space<vmem>>
          %dma_start3A_204 = tpu.memref_squeeze %dma_start3A_203 : memref<1x64xi32, #tpu.memory_space<vmem>> -> memref<64xi32, #tpu.memory_space<vmem>>
          %dma_start3A_205 = arith.constant 0 : i32
          %dma_start3A_206 = arith.constant 0 : i32
          %dma_start3A_207 = tpu.memref_slice %arg3[%dma_start3A_205, %dma_start3A_206] : memref<20000x128xf32, #tpu.memory_space<hbm>> -> memref<20000x128xf32, #tpu.memory_space<hbm>>
          tpu.enqueue_indirect_dma source(%dma_start3A_207 : memref<20000x128xf32, #tpu.memory_space<hbm>>) target(%arg13 : memref<64x128xf32, #tpu.memory_space<vmem>>) offsets(%dma_start3A_204 : memref<64xi32, #tpu.memory_space<vmem>>) semaphore(%arg19 : memref<!tpu.dma_semaphore, #tpu.memory_space<semaphore_mem>>)
        } else {
        }
        %add3A_180 = arith.constant 1 : i32
        %add3A_181 = arith.addi %add3A_73, %add3A_180 : i32
        %dma_wait3A_182 = arith.constant 0 : i32
        %dma_wait3A_183 = tpu.memref_slice %arg11[%add3A_181, %dma_wait3A_182] : memref<8x64xi32, #tpu.memory_space<vmem>> -> memref<1x64xi32, #tpu.memory_space<vmem>>
        %dma_wait3A_184 = tpu.memref_squeeze %dma_wait3A_183 : memref<1x64xi32, #tpu.memory_space<vmem>> -> memref<64xi32, #tpu.memory_space<vmem>>
        %dma_wait3A_185 = arith.constant 0 : i32
        %dma_wait3A_186 = arith.constant 0 : i32
        %dma_wait3A_187 = tpu.memref_slice %arg17[%dma_wait3A_185, %dma_wait3A_186] : memref<10240x128xf32, #tpu.memory_space<vmem_shared>> -> memref<10240x128xf32, #tpu.memory_space<vmem_shared>>
        tpu.wait_indirect_dma semaphore(%arg24 : memref<!tpu.dma_semaphore, #tpu.memory_space<semaphore_mem>>) src(%arg14 : memref<64x128xf32, #tpu.memory_space<vmem>>) dst(%dma_wait3A_187 : memref<10240x128xf32, #tpu.memory_space<vmem_shared>>)
        %dma_wait3A_188 = arith.constant 0 : i32
        %dma_wait3A_189 = tpu.memref_slice %arg11[%add3A_181, %dma_wait3A_188] : memref<8x64xi32, #tpu.memory_space<vmem>> -> memref<1x64xi32, #tpu.memory_space<vmem>>
        %dma_wait3A_190 = tpu.memref_squeeze %dma_wait3A_189 : memref<1x64xi32, #tpu.memory_space<vmem>> -> memref<64xi32, #tpu.memory_space<vmem>>
        %dma_wait3A_191 = arith.constant 0 : i32
        %dma_wait3A_192 = arith.constant 0 : i32
        %dma_wait3A_193 = tpu.memref_slice %arg17[%dma_wait3A_191, %dma_wait3A_192] : memref<10240x128xf32, #tpu.memory_space<vmem_shared>> -> memref<10240x128xf32, #tpu.memory_space<vmem_shared>>
        tpu.wait_indirect_dma semaphore(%arg25 : memref<!tpu.dma_semaphore, #tpu.memory_space<semaphore_mem>>) src(%arg15 : memref<64x128xf32, #tpu.memory_space<vmem>>) dst(%dma_wait3A_193 : memref<10240x128xf32, #tpu.memory_space<vmem_shared>>)
      }
      %scan3A_68 = arith.constant 4 : i32
    }
    "tpu.region"() ({
      %run_scoped3A = tpu.sem_alloc : memref<!tpu.dma_semaphore, #tpu.memory_space<semaphore_mem>>
      %dma_start3A = arith.constant 0 : i32
      %dma_start3A_45 = tpu.memref_slice %arg8[%arg0, %arg1, %dma_start3A] : memref<2x16x10240xf32, #tpu.memory_space<hbm>> -> memref<1x1x10240xf32, #tpu.memory_space<hbm>>
      %dma_start3A_46 = tpu.memref_squeeze %dma_start3A_45 : memref<1x1x10240xf32, #tpu.memory_space<hbm>> -> memref<10240xf32, #tpu.memory_space<hbm>>
      %dma_start3A_47 = arith.constant 0 : i32
      %dma_start3A_48 = tpu.memref_slice %arg8[%arg0, %arg1, %dma_start3A_47] : memref<2x16x10240xf32, #tpu.memory_space<hbm>> -> memref<1x1x10240xf32, #tpu.memory_space<hbm>>
      %dma_start3A_49 = tpu.memref_squeeze %dma_start3A_48 : memref<1x1x10240xf32, #tpu.memory_space<hbm>> -> memref<10240xf32, #tpu.memory_space<hbm>>
      tpu.enqueue_dma source(%arg16 : memref<10240xf32, #tpu.memory_space<vmem>>) target(%dma_start3A_49 : memref<10240xf32, #tpu.memory_space<hbm>>) target_semaphore(%run_scoped3A : memref<!tpu.dma_semaphore, #tpu.memory_space<semaphore_mem>>)
      %dma_wait3A = arith.constant 0 : i32
      %dma_wait3A_50 = tpu.memref_slice %arg8[%arg0, %arg1, %dma_wait3A] : memref<2x16x10240xf32, #tpu.memory_space<hbm>> -> memref<1x1x10240xf32, #tpu.memory_space<hbm>>
      %dma_wait3A_51 = tpu.memref_squeeze %dma_wait3A_50 : memref<1x1x10240xf32, #tpu.memory_space<hbm>> -> memref<10240xf32, #tpu.memory_space<hbm>>
      %dma_wait3A_52 = arith.constant 0 : i32
      %dma_wait3A_53 = tpu.memref_slice %arg8[%arg0, %arg1, %dma_wait3A_52] : memref<2x16x10240xf32, #tpu.memory_space<hbm>> -> memref<1x1x10240xf32, #tpu.memory_space<hbm>>
      %dma_wait3A_54 = tpu.memref_squeeze %dma_wait3A_53 : memref<1x1x10240xf32, #tpu.memory_space<hbm>> -> memref<10240xf32, #tpu.memory_space<hbm>>
      tpu.wait_dma2 semaphore(%run_scoped3A : memref<!tpu.dma_semaphore, #tpu.memory_space<semaphore_mem>>) src(%arg16 : memref<10240xf32, #tpu.memory_space<vmem>>) dst(%dma_wait3A_54 : memref<10240xf32, #tpu.memory_space<hbm>>)
      tpu.yield
    }) : () -> ()
    %barrier3A_44 = arith.constant 0 : index
    tpu.barrier barrier_id(%barrier3A_44)
    "tpu.region"() ({
      %run_scoped3A = tpu.sem_alloc : memref<!tpu.dma_semaphore, #tpu.memory_space<semaphore_mem>>
      %dma_start3A = arith.constant 0 : i32
      %dma_start3A_45 = arith.constant 0 : i32
      %dma_start3A_46 = tpu.memref_slice %arg7[%arg0, %arg1, %dma_start3A, %dma_start3A_45] : memref<2x16x640x128xf32, #tpu.memory_space<hbm>> -> memref<1x1x640x128xf32, #tpu.memory_space<hbm>>
      %dma_start3A_47 = tpu.memref_squeeze %dma_start3A_46 : memref<1x1x640x128xf32, #tpu.memory_space<hbm>> -> memref<640x128xf32, #tpu.memory_space<hbm>>
      %dma_start3A_48 = arith.constant 0 : i32
      %dma_start3A_49 = tpu.memref_slice %arg17[%mul3A_0, %dma_start3A_48] : memref<10240x128xf32, #tpu.memory_space<vmem_shared>> -> memref<640x128xf32, #tpu.memory_space<vmem_shared>>
      tpu.enqueue_dma source(%dma_start3A_49 : memref<640x128xf32, #tpu.memory_space<vmem_shared>>) target(%dma_start3A_47 : memref<640x128xf32, #tpu.memory_space<hbm>>) target_semaphore(%run_scoped3A : memref<!tpu.dma_semaphore, #tpu.memory_space<semaphore_mem>>)
      %dma_wait3A = arith.constant 0 : i32
      %dma_wait3A_50 = arith.constant 0 : i32
      %dma_wait3A_51 = tpu.memref_slice %arg7[%arg0, %arg1, %dma_wait3A, %dma_wait3A_50] : memref<2x16x640x128xf32, #tpu.memory_space<hbm>> -> memref<1x1x640x128xf32, #tpu.memory_space<hbm>>
      %dma_wait3A_52 = tpu.memref_squeeze %dma_wait3A_51 : memref<1x1x640x128xf32, #tpu.memory_space<hbm>> -> memref<640x128xf32, #tpu.memory_space<hbm>>
      %dma_wait3A_53 = arith.constant 0 : i32
      %dma_wait3A_54 = tpu.memref_slice %arg17[%mul3A_0, %dma_wait3A_53] : memref<10240x128xf32, #tpu.memory_space<vmem_shared>> -> memref<640x128xf32, #tpu.memory_space<vmem_shared>>
      tpu.wait_dma2 semaphore(%run_scoped3A : memref<!tpu.dma_semaphore, #tpu.memory_space<semaphore_mem>>) src(%dma_wait3A_54 : memref<640x128xf32, #tpu.memory_space<vmem_shared>>) dst(%dma_wait3A_52 : memref<640x128xf32, #tpu.memory_space<hbm>>)
      tpu.yield
    }) : () -> ()
    return
  }
}

module attributes {stable_mosaic.version = 14 : i64} {
  func.func @_idx_body(%arg0: memref<2560x128xi32, #tpu.memory_space<vmem>>, %arg1: memref<2560x128xi32, #tpu.memory_space<vmem>>, %arg2: memref<2560x128xi32, #tpu.memory_space<vmem>>, %arg3: memref<2560x128xi32, #tpu.memory_space<vmem>>, %arg4: memref<2560x128xi32, #tpu.memory_space<vmem>>) attributes {dimension_semantics = [], scalar_prefetch = 0 : i64, scratch_operands = 0 : i64, tpu.core_type = #tpu.core_type<tc>} {
    %get3A = arith.constant 0 : index
    %get3A_0 = arith.constant 0 : index
    %get3A_1 = vector.load %arg1[%get3A, %get3A_0] : memref<2560x128xi32, #tpu.memory_space<vmem>>, vector<2560x128xi32>
    %mul3A = arith.constant 200 : i32
    %mul3A_2 = vector.broadcast %mul3A : i32 to vector<2560x128xi32>
    %mul3A_3 = arith.muli %get3A_1, %mul3A_2 : vector<2560x128xi32>
    %get3A_4 = arith.constant 0 : index
    %get3A_5 = arith.constant 0 : index
    %get3A_6 = vector.load %arg0[%get3A_4, %get3A_5] : memref<2560x128xi32, #tpu.memory_space<vmem>>, vector<2560x128xi32>
    %add3A = arith.addi %mul3A_3, %get3A_6 : vector<2560x128xi32>
    %swap3A = arith.constant 0 : index
    %swap3A_7 = arith.constant 0 : index
    %swap3A_8 = vector.load %arg3[%swap3A, %swap3A_7] : memref<2560x128xi32, #tpu.memory_space<vmem>>, vector<2560x128xi32>
    tpu.vector_store %arg3[%swap3A, %swap3A_7], %add3A {strides = array<i32>} : memref<2560x128xi32, #tpu.memory_space<vmem>>, vector<2560x128xi32>,
    %mul3A_9 = arith.constant 10000 : i32
    %mul3A_10 = vector.broadcast %mul3A_9 : i32 to vector<2560x128xi32>
    %mul3A_11 = arith.muli %get3A_1, %mul3A_10 : vector<2560x128xi32>
    %get3A_12 = arith.constant 0 : index
    %get3A_13 = arith.constant 0 : index
    %get3A_14 = vector.load %arg2[%get3A_12, %get3A_13] : memref<2560x128xi32, #tpu.memory_space<vmem>>, vector<2560x128xi32>
    %add3A_15 = arith.addi %mul3A_11, %get3A_14 : vector<2560x128xi32>
    %swap3A_16 = arith.constant 0 : index
    %swap3A_17 = arith.constant 0 : index
    %swap3A_18 = vector.load %arg4[%swap3A_16, %swap3A_17] : memref<2560x128xi32, #tpu.memory_space<vmem>>, vector<2560x128xi32>
    tpu.vector_store %arg4[%swap3A_16, %swap3A_17], %add3A_15 {strides = array<i32>} : memref<2560x128xi32, #tpu.memory_space<vmem>>, vector<2560x128xi32>,
    return
  }
}

module attributes {stable_mosaic.version = 14 : i64} {
  func.func @_tab_body(%arg0: i32, %arg1: memref<2000x128xf32, #tpu.memory_space<vmem>>, %arg2: memref<128x384xf32, #tpu.memory_space<vmem>>, %arg3: memref<2x2000x128xf32, #tpu.memory_space<vmem>>, %arg4: memref<2000x128xf32, #tpu.memory_space<vmem>>) attributes {dimension_semantics = [#tpu.dimension_semantics<arbitrary>], iteration_bounds = array<i64: 5>, scalar_prefetch = 0 : i64, scratch_operands = 0 : i64, tpu.core_type = #tpu.core_type<tc>, window_params = [{transform_indices = @transform_0, window_bounds = array<i64: 2000, 128>}, {pipeline_mode = #tpu.pipeline_mode<synchronous>, transform_indices = @transform_1, window_bounds = array<i64: 128, 384>}, {transform_indices = @transform_2, window_bounds = array<i64: 2, 2000, 128>}, {transform_indices = @transform_3, window_bounds = array<i64: 2000, 128>}]} {
    %get3A = arith.constant 0 : index
    %get3A_0 = arith.constant 0 : index
    %get3A_1 = vector.load %arg1[%get3A, %get3A_0] : memref<2000x128xf32, #tpu.memory_space<vmem>>, vector<2000x128xf32>
    %get3A_2 = arith.constant 0 : index
    %get3A_3 = arith.constant 0 : index
    %get3A_4 = vector.load %arg2[%get3A_2, %get3A_3] : memref<128x384xf32, #tpu.memory_space<vmem>>, vector<128x128xf32>
    %dot_general3A = arith.constant dense<0.000000e+00> : vector<2000x128xf32>
    %dot_general3A_5 = tpu.matmul %get3A_1, %get3A_4, %dot_general3A {dimension_numbers = #tpu.dot_dimension_numbers<[1], [0], [0], [1], [0, 0, 1, 1], [], []>, transpose_lhs_hint = false} : vector<2000x128xf32>, vector<128x128xf32>, vector<2000x128xf32> -> vector<2000x128xf32>
    %swap3A = arith.constant 0 : index
    %swap3A_6 = arith.constant 0 : index
    %swap3A_7 = arith.constant 0 : index
    %swap3A_8 = vector.load %arg3[%swap3A, %swap3A_6, %swap3A_7] : memref<2x2000x128xf32, #tpu.memory_space<vmem>>, vector<1x2000x128xf32>
    %swap3A_9 = vector.shape_cast %swap3A_8 : vector<1x2000x128xf32> to vector<2000x128xf32>
    %swap3A_10 = vector.shape_cast %dot_general3A_5 : vector<2000x128xf32> to vector<1x2000x128xf32>
    tpu.vector_store %arg3[%swap3A, %swap3A_6, %swap3A_7], %swap3A_10 {strides = array<i32>} : memref<2x2000x128xf32, #tpu.memory_space<vmem>>, vector<1x2000x128xf32>,
    %get3A_11 = arith.constant 0 : index
    %get3A_12 = arith.constant 128 : index
    %get3A_13 = vector.load %arg2[%get3A_11, %get3A_12] : memref<128x384xf32, #tpu.memory_space<vmem>>, vector<128x128xf32>
    %dot_general3A_14 = arith.constant dense<0.000000e+00> : vector<2000x128xf32>
    %dot_general3A_15 = tpu.matmul %get3A_1, %get3A_13, %dot_general3A_14 {dimension_numbers = #tpu.dot_dimension_numbers<[1], [0], [0], [1], [0, 0, 1, 1], [], []>, transpose_lhs_hint = false} : vector<2000x128xf32>, vector<128x128xf32>, vector<2000x128xf32> -> vector<2000x128xf32>
    %swap3A_16 = arith.constant 1 : index
    %swap3A_17 = arith.constant 0 : index
    %swap3A_18 = arith.constant 0 : index
    %swap3A_19 = vector.load %arg3[%swap3A_16, %swap3A_17, %swap3A_18] : memref<2x2000x128xf32, #tpu.memory_space<vmem>>, vector<1x2000x128xf32>
    %swap3A_20 = vector.shape_cast %swap3A_19 : vector<1x2000x128xf32> to vector<2000x128xf32>
    %swap3A_21 = vector.shape_cast %dot_general3A_15 : vector<2000x128xf32> to vector<1x2000x128xf32>
    tpu.vector_store %arg3[%swap3A_16, %swap3A_17, %swap3A_18], %swap3A_21 {strides = array<i32>} : memref<2x2000x128xf32, #tpu.memory_space<vmem>>, vector<1x2000x128xf32>,
    %get3A_22 = arith.constant 0 : index
    %get3A_23 = arith.constant 256 : index
    %get3A_24 = vector.load %arg2[%get3A_22, %get3A_23] : memref<128x384xf32, #tpu.memory_space<vmem>>, vector<128x128xf32>
    %dot_general3A_25 = arith.constant dense<0.000000e+00> : vector<2000x128xf32>
    %dot_general3A_26 = tpu.matmul %get3A_1, %get3A_24, %dot_general3A_25 {dimension_numbers = #tpu.dot_dimension_numbers<[1], [0], [0], [1], [0, 0, 1, 1], [], []>, transpose_lhs_hint = false} : vector<2000x128xf32>, vector<128x128xf32>, vector<2000x128xf32> -> vector<2000x128xf32>
    %swap3A_27 = arith.constant 0 : index
    %swap3A_28 = arith.constant 0 : index
    %swap3A_29 = vector.load %arg4[%swap3A_27, %swap3A_28] : memref<2000x128xf32, #tpu.memory_space<vmem>>, vector<2000x128xf32>
    tpu.vector_store %arg4[%swap3A_27, %swap3A_28], %dot_general3A_26 {strides = array<i32>} : memref<2000x128xf32, #tpu.memory_space<vmem>>, vector<2000x128xf32>,
    return
  }
  func.func @transform_0(%arg0: i32) -> (i32, i32) {
    %c0_i32 = arith.constant 0 : i32
    %c0_i32_0 = arith.constant 0 : i32
    return %arg0, %c0_i32 : i32, i32
  }
  func.func @transform_1(%arg0: i32) -> (i32, i32) {
    %c0_i32 = arith.constant 0 : i32
    %c0_i32_0 = arith.constant 0 : i32
    %c0_i32_1 = arith.constant 0 : i32
    return %c0_i32, %c0_i32_0 : i32, i32
  }
  func.func @transform_2(%arg0: i32) -> (i32, i32, i32) {
    %c0_i32 = arith.constant 0 : i32
    %c0_i32_0 = arith.constant 0 : i32
    %c0_i32_1 = arith.constant 0 : i32
    return %c0_i32, %arg0, %c0_i32_0 : i32, i32, i32
  }
  func.func @transform_3(%arg0: i32) -> (i32, i32) {
    %c0_i32 = arith.constant 0 : i32
    %c0_i32_0 = arith.constant 0 : i32
    return %arg0, %c0_i32 : i32, i32
  }
}

module attributes {stable_mosaic.version = 14 : i64} {
  func.func @_meta_body(%arg0: memref<200x128xf32, #tpu.memory_space<vmem>>, %arg1: memref<128x384xf32, #tpu.memory_space<vmem>>, %arg2: memref<3x1x128xf32, #tpu.memory_space<vmem>>, %arg3: memref<2x200x128xf32, #tpu.memory_space<vmem>>, %arg4: memref<200x128xf32, #tpu.memory_space<vmem>>) attributes {dimension_semantics = [], scalar_prefetch = 0 : i64, scratch_operands = 0 : i64, tpu.core_type = #tpu.core_type<tc>} {
    %get3A = arith.constant 0 : index
    %get3A_0 = arith.constant 0 : index
    %get3A_1 = vector.load %arg0[%get3A, %get3A_0] : memref<200x128xf32, #tpu.memory_space<vmem>>, vector<200x128xf32>
    %get3A_2 = arith.constant 0 : index
    %get3A_3 = arith.constant 0 : index
    %get3A_4 = vector.load %arg1[%get3A_2, %get3A_3] : memref<128x384xf32, #tpu.memory_space<vmem>>, vector<128x128xf32>
    %dot_general3A = arith.constant dense<0.000000e+00> : vector<200x128xf32>
    %dot_general3A_5 = tpu.matmul %get3A_1, %get3A_4, %dot_general3A {dimension_numbers = #tpu.dot_dimension_numbers<[1], [0], [0], [1], [0, 0, 1, 1], [], []>, transpose_lhs_hint = false} : vector<200x128xf32>, vector<128x128xf32>, vector<200x128xf32> -> vector<200x128xf32>
    %get3A_6 = arith.constant 0 : index
    %get3A_7 = arith.constant 0 : index
    %get3A_8 = arith.constant 0 : index
    %get3A_9 = vector.load %arg2[%get3A_6, %get3A_7, %get3A_8] : memref<3x1x128xf32, #tpu.memory_space<vmem>>, vector<1x1x128xf32>
    %get3A_10 = vector.shape_cast %get3A_9 : vector<1x1x128xf32> to vector<1x128xf32>
    %add3A = vector.broadcast %get3A_10 : vector<1x128xf32> to vector<200x128xf32>
    %add3A_11 = arith.addf %dot_general3A_5, %add3A : vector<200x128xf32>
    %swap3A = arith.constant 0 : index
    %swap3A_12 = arith.constant 0 : index
    %swap3A_13 = arith.constant 0 : index
    %swap3A_14 = vector.load %arg3[%swap3A, %swap3A_12, %swap3A_13] : memref<2x200x128xf32, #tpu.memory_space<vmem>>, vector<1x200x128xf32>
    %swap3A_15 = vector.shape_cast %swap3A_14 : vector<1x200x128xf32> to vector<200x128xf32>
    %swap3A_16 = vector.shape_cast %add3A_11 : vector<200x128xf32> to vector<1x200x128xf32>
    tpu.vector_store %arg3[%swap3A, %swap3A_12, %swap3A_13], %swap3A_16 {strides = array<i32>} : memref<2x200x128xf32, #tpu.memory_space<vmem>>, vector<1x200x128xf32>,
    %get3A_17 = arith.constant 0 : index
    %get3A_18 = arith.constant 128 : index
    %get3A_19 = vector.load %arg1[%get3A_17, %get3A_18] : memref<128x384xf32, #tpu.memory_space<vmem>>, vector<128x128xf32>
    %dot_general3A_20 = arith.constant dense<0.000000e+00> : vector<200x128xf32>
    %dot_general3A_21 = tpu.matmul %get3A_1, %get3A_19, %dot_general3A_20 {dimension_numbers = #tpu.dot_dimension_numbers<[1], [0], [0], [1], [0, 0, 1, 1], [], []>, transpose_lhs_hint = false} : vector<200x128xf32>, vector<128x128xf32>, vector<200x128xf32> -> vector<200x128xf32>
    %get3A_22 = arith.constant 1 : index
    %get3A_23 = arith.constant 0 : index
    %get3A_24 = arith.constant 0 : index
    %get3A_25 = vector.load %arg2[%get3A_22, %get3A_23, %get3A_24] : memref<3x1x128xf32, #tpu.memory_space<vmem>>, vector<1x1x128xf32>
    %get3A_26 = vector.shape_cast %get3A_25 : vector<1x1x128xf32> to vector<1x128xf32>
    %add3A_27 = vector.broadcast %get3A_26 : vector<1x128xf32> to vector<200x128xf32>
    %add3A_28 = arith.addf %dot_general3A_21, %add3A_27 : vector<200x128xf32>
    %swap3A_29 = arith.constant 1 : index
    %swap3A_30 = arith.constant 0 : index
    %swap3A_31 = arith.constant 0 : index
    %swap3A_32 = vector.load %arg3[%swap3A_29, %swap3A_30, %swap3A_31] : memref<2x200x128xf32, #tpu.memory_space<vmem>>, vector<1x200x128xf32>
    %swap3A_33 = vector.shape_cast %swap3A_32 : vector<1x200x128xf32> to vector<200x128xf32>
    %swap3A_34 = vector.shape_cast %add3A_28 : vector<200x128xf32> to vector<1x200x128xf32>
    tpu.vector_store %arg3[%swap3A_29, %swap3A_30, %swap3A_31], %swap3A_34 {strides = array<i32>} : memref<2x200x128xf32, #tpu.memory_space<vmem>>, vector<1x200x128xf32>,
    %get3A_35 = arith.constant 0 : index
    %get3A_36 = arith.constant 256 : index
    %get3A_37 = vector.load %arg1[%get3A_35, %get3A_36] : memref<128x384xf32, #tpu.memory_space<vmem>>, vector<128x128xf32>
    %dot_general3A_38 = arith.constant dense<0.000000e+00> : vector<200x128xf32>
    %dot_general3A_39 = tpu.matmul %get3A_1, %get3A_37, %dot_general3A_38 {dimension_numbers = #tpu.dot_dimension_numbers<[1], [0], [0], [1], [0, 0, 1, 1], [], []>, transpose_lhs_hint = false} : vector<200x128xf32>, vector<128x128xf32>, vector<200x128xf32> -> vector<200x128xf32>
    %get3A_40 = arith.constant 2 : index
    %get3A_41 = arith.constant 0 : index
    %get3A_42 = arith.constant 0 : index
    %get3A_43 = vector.load %arg2[%get3A_40, %get3A_41, %get3A_42] : memref<3x1x128xf32, #tpu.memory_space<vmem>>, vector<1x1x128xf32>
    %get3A_44 = vector.shape_cast %get3A_43 : vector<1x1x128xf32> to vector<1x128xf32>
    %add3A_45 = vector.broadcast %get3A_44 : vector<1x128xf32> to vector<200x128xf32>
    %add3A_46 = arith.addf %dot_general3A_39, %add3A_45 : vector<200x128xf32>
    %swap3A_47 = arith.constant 0 : index
    %swap3A_48 = arith.constant 0 : index
    %swap3A_49 = vector.load %arg4[%swap3A_47, %swap3A_48] : memref<200x128xf32, #tpu.memory_space<vmem>>, vector<200x128xf32>
    tpu.vector_store %arg4[%swap3A_47, %swap3A_48], %add3A_46 {strides = array<i32>} : memref<200x128xf32, #tpu.memory_space<vmem>>, vector<200x128xf32>,
    return
  }
}

module attributes {stable_mosaic.version = 14 : i64} {
  func.func @_comb_body(%arg0: i32, %arg1: memref<2x2000x128xf32, #tpu.memory_space<vmem>>, %arg2: memref<2000x32xf32, #tpu.memory_space<vmem>>, %arg3: memref<2000x128xf32, #tpu.memory_space<vmem>>, %arg4: memref<1x128xf32, #tpu.memory_space<vmem>>, %arg5: memref<2000x128xf32, #tpu.memory_space<vmem>>) attributes {dimension_semantics = [#tpu.dimension_semantics<arbitrary>], iteration_bounds = array<i64: 5>, scalar_prefetch = 0 : i64, scratch_operands = 0 : i64, tpu.core_type = #tpu.core_type<tc>, window_params = [{transform_indices = @transform_0, window_bounds = array<i64: 2, 2000, 128>}, {transform_indices = @transform_1, window_bounds = array<i64: 2000, 32>}, {transform_indices = @transform_2, window_bounds = array<i64: 2000, 128>}, {pipeline_mode = #tpu.pipeline_mode<synchronous>, transform_indices = @transform_3, window_bounds = array<i64: 1, 128>}, {transform_indices = @transform_4, window_bounds = array<i64: 2000, 128>}]} {
    %get3A = arith.constant 0 : index
    %get3A_0 = arith.constant 0 : index
    %get3A_1 = arith.constant 0 : index
    %get3A_2 = vector.load %arg1[%get3A, %get3A_0, %get3A_1] : memref<2x2000x128xf32, #tpu.memory_space<vmem>>, vector<1x2000x128xf32>
    %get3A_3 = vector.shape_cast %get3A_2 : vector<1x2000x128xf32> to vector<2000x128xf32>
    %get3A_4 = arith.constant 1 : index
    %get3A_5 = arith.constant 0 : index
    %get3A_6 = arith.constant 0 : index
    %get3A_7 = vector.load %arg1[%get3A_4, %get3A_5, %get3A_6] : memref<2x2000x128xf32, #tpu.memory_space<vmem>>, vector<1x2000x128xf32>
    %get3A_8 = vector.shape_cast %get3A_7 : vector<1x2000x128xf32> to vector<2000x128xf32>
    %add3A = arith.addf %get3A_3, %get3A_8 : vector<2000x128xf32>
    %get3A_9 = arith.constant 0 : index
    %get3A_10 = arith.constant 0 : index
    %get3A_11 = vector.load %arg2[%get3A_9, %get3A_10] : memref<2000x32xf32, #tpu.memory_space<vmem>>, vector<2000x32xf32>
    %reduce_sum3A = arith.constant dense<0.000000e+00> : vector<2000xf32>
    %reduce_sum3A_12 = vector.multi_reduction <add>, %get3A_11, %reduce_sum3A [1] : vector<2000x32xf32> to vector<2000xf32>
    %broadcast_in_dim3A = vector.shape_cast %reduce_sum3A_12 : vector<2000xf32> to vector<2000x1xf32>
    %get3A_13 = arith.constant 0 : index
    %get3A_14 = arith.constant 0 : index
    %get3A_15 = vector.load %arg3[%get3A_13, %get3A_14] : memref<2000x128xf32, #tpu.memory_space<vmem>>, vector<2000x128xf32>
    %get3A_16 = arith.constant 0 : index
    %get3A_17 = arith.constant 0 : index
    %get3A_18 = vector.load %arg4[%get3A_16, %get3A_17] : memref<1x128xf32, #tpu.memory_space<vmem>>, vector<1x128xf32>
    %add3A_19 = vector.broadcast %get3A_18 : vector<1x128xf32> to vector<2000x128xf32>
    %add3A_20 = arith.addf %get3A_15, %add3A_19 : vector<2000x128xf32>
    %max3A = arith.constant 1.000000e+00 : f32
    %max3A_21 = vector.broadcast %max3A : f32 to vector<2000x1xf32>
    %max3A_22 = arith.maximumf %broadcast_in_dim3A, %max3A_21 : vector<2000x1xf32>
    %div3A = vector.broadcast %max3A_22 : vector<2000x1xf32> to vector<2000x128xf32>
    %div3A_23 = arith.divf %add3A, %div3A : vector<2000x128xf32>
    %add3A_24 = arith.addf %add3A_20, %div3A_23 : vector<2000x128xf32>
    %swap3A = arith.constant 0 : index
    %swap3A_25 = arith.constant 0 : index
    %swap3A_26 = vector.load %arg5[%swap3A, %swap3A_25] : memref<2000x128xf32, #tpu.memory_space<vmem>>, vector<2000x128xf32>
    tpu.vector_store %arg5[%swap3A, %swap3A_25], %add3A_24 {strides = array<i32>} : memref<2000x128xf32, #tpu.memory_space<vmem>>, vector<2000x128xf32>,
    return
  }
  func.func @transform_0(%arg0: i32) -> (i32, i32, i32) {
    %c0_i32 = arith.constant 0 : i32
    %c0_i32_0 = arith.constant 0 : i32
    %c0_i32_1 = arith.constant 0 : i32
    return %c0_i32, %arg0, %c0_i32_0 : i32, i32, i32
  }
  func.func @transform_1(%arg0: i32) -> (i32, i32) {
    %c0_i32 = arith.constant 0 : i32
    %c0_i32_0 = arith.constant 0 : i32
    return %arg0, %c0_i32 : i32, i32
  }
  func.func @transform_2(%arg0: i32) -> (i32, i32) {
    %c0_i32 = arith.constant 0 : i32
    %c0_i32_0 = arith.constant 0 : i32
    return %arg0, %c0_i32 : i32, i32
  }
  func.func @transform_3(%arg0: i32) -> (i32, i32) {
    %c0_i32 = arith.constant 0 : i32
    %c0_i32_0 = arith.constant 0 : i32
    %c0_i32_1 = arith.constant 0 : i32
    return %c0_i32, %c0_i32_0 : i32, i32
  }
  func.func @transform_4(%arg0: i32) -> (i32, i32) {
    %c0_i32 = arith.constant 0 : i32
    %c0_i32_0 = arith.constant 0 : i32
    return %arg0, %c0_i32 : i32, i32
  }
}

</mosaic_0001>

<sc_bundles>
// kernel: kernel.7.cloned.1.call-start
scs
__scs_entry_jumppad:
0x0: {  	(pc) =	sbr.rel $0x88, $3  }
0x1: {  	(tag) =	ssettag $0x0;
	lr =	simm.s32 $0x1  }
0x2: {  	[smem:$0x3F94] =	sst lr;
	_ =	strace $0xD0000000  }
0x3: {  	_ = 	snop  }
0x4: {  	_ = 	snop  }
0x5: {  	_ = 	snop  }
0x6: {  	_ = 	snop  }
0x7: {  	_ = 	snop  }
__scs_overlays_trampoline_lowered:
0x8: {  	[smem:$0x3FA3] =	sst s0  }
0x9: {  	[smem:$0x3FA4] =	sst s1  }
0xa: {  	[smem:$0x3FA5] =	sst s2  }
0xb: {  	[smem:$0x3FA6] =	sst s3  }
0xc: {  	[smem:$0x3FA7] =	sst s4  }
0xd: {  	[smem:$0x3FA8] =	sst s5  }
0xe: {  	[smem:$0x3FA9] =	sst s6  }
0xf: {  	[smem:$0x3FAA] =	sst s7  }
0x10: {  	[smem:$0x3FAB] =	sst s8  }
0x11: {  	[smem:$0x3FAC] =	sst s9;
	s0 =	simm.s32 @!p0 $0x0  }
0x12: {  	s1 =	sld [smem:$0x3F92];
	s0 =	simm.s32 @p0 $0x1  }
0x13: {  	[smem:$0x3FAD] =	sst s0;
	s0 =	simm.s32 @!p1 $0x0  }
0x14: {  	s2 =	sld [smem:$0x3F91];
	s0 =	simm.s32 @p1 $0x1  }
0x15: {  	[smem:$0x3FAE] =	sst s0;
	s0 =	simm.s32 @!p2 $0x0  }
0x16: {  	s3 =	sld [smem:$0x3FDB];
	s0 =	simm.s32 @p2 $0x1  }
0x17: {  	s4 =	simm.s32 $0x1BF5;
	[smem:$0x3FB0] =	sst s0  }
0x18: {  	s0 =	sld [smem:$0x3F93];
	_ =	swait.ge [sflag:s4], $0x0  }
0x19: {  	s7 =	sld [smem:$0x3F94]  }
0x1a: {  	s8 =	sadd.s32 $0xFFFFE003, lr  }
0x1b: {  	s9 =	sadd.s32 $0xFFFFFEF7, lr;
	s5 =	simm.s32 $0xFFFFFFFF;
	p2 =	slt.u32 s8, $0xFFFFF086  }
0x1c: {  	p1 =	slt.u32 s9, $0xF7A;
	s5 =	simm.s32 @!p2 $0x0  }
0x1d: {  	s5 =	simm.s32 @p1 $0x1;
	p0 =	seq.s32 s7, s2  }
0x1e: {  	s7 =	smul.u32 @!p0 $0xF7A, s2;
	p2 =	seq.s32 @!p0 s5, $0x0  }
0x1f: {  	s9 =	smul.u32 $0xF7A, s1;
	s8 =	simm.s32 @!p0 $0x1BF5;
	p2 =	por !p2, p0  }
0x20: {  	[sflag:s8] =	ssyncset.s32 @!p0 $0xFFFFF086;
	s6 =	sadd.s32 @!p0 s3, s7;
	s7 =	simm.s32 @!p0 $0x108  }
0x21: {  	s3 =	sadd.s32 s3, s9;
	s6 =	sadd.s32 @!p0 $0x88, s6;
	s7 =	simm.s32 @p2 $0x1082  }
0x22: {  	[simem:s7], [sflag:s8] =	dma.local @!p0 [hbm:s6], $0xF7A  }
0x23: {  	s9 =	sor.u32 $0xD0000000, s2;
	s6 =	simm.s32 $0x108;
	_ =	swait.ge @!p0 [sflag:s8], $0x0  }
0x24: {  	s3 =	sadd.s32 $0x88, s3;
	s6 =	simm.s32 @!p1 $0x1082;
	[sflag:s4] =	ssyncset.s32 $0xFFFFF086  }
0x25: {  	[simem:s6], [sflag:s4] =	dma.local [hbm:s3], $0xF7A  }
0x26: {  	[smem:$0x3F94] =	sst s1;
	(tag) =	ssettag s2;
	_ =	strace s9  }
0x27: {  	s1 =	sld [smem:$0x3FA4]  }
0x28: {  	s2 =	sld [smem:$0x3FA5]  }
0x29: {  	s4 =	sld [smem:$0x3FA7]  }
0x2a: {  	p0 =	seq.s32 s5, $0x0;
	s5 =	sld [smem:$0x3FA8]  }
0x2b: {  	s6 =	sld [smem:$0x3FA9]  }
0x2c: {  	s7 =	sld [smem:$0x3FAA]  }
0x2d: {  	s3 =	simm.s32 $0x108;
	s8 =	sld [smem:$0x3FAB]  }
0x2e: {  	s3 =	simm.s32 @!p0 $0x1082;
	s9 =	sld [smem:$0x3FAC]  }
0x2f: {  	lr =	sadd.s32 s0, s3;
	s0 =	sld [smem:$0x3FA3]  }
0x30: {  	s3 =	sld [smem:$0x3FA6]  }
0x31: {  	[smem:$0x3FAF] =	sst s10  }
0x32: {  	s10 =	sld [smem:$0x3FAD];
	_ =	sdelay $0x3  }
0x33: {  	p0 =	seq.s32 s10, $0x1;
	s10 =	sld [smem:$0x3FAF];
	_ =	sdelay $0x3  }
0x34: {  	[smem:$0x3FAF] =	sst s10  }
0x35: {  	s10 =	sld [smem:$0x3FAE];
	_ =	sdelay $0x3  }
0x36: {  	p1 =	seq.s32 s10, $0x1;
	s10 =	sld [smem:$0x3FAF];
	_ =	sdelay $0x3  }
0x37: {  	[smem:$0x3FAF] =	sst s10  }
0x38: {  	s10 =	sld [smem:$0x3FB0]  }
0x39: {  	_ = 	snop;
	(pc) =	sbr.ind lr, $3  }
0x3a: {  	_ = 	snop  }
0x3b: {  	_ = 	snop  }
0x3c: {  	p2 =	seq.s32 s10, $0x1;
	s10 =	sld [smem:$0x3FAF]  }
0x3d: {  	_ =	shalt  }
0x3e: {  	_ =	shalt  }
0x3f: {  	_ =	shalt  }
0x40: {  	_ =	shalt  }
0x41: {  	_ =	shalt  }
0x42: {  	_ =	shalt  }
0x43: {  	_ =	shalt  }
0x44: {  	_ =	shalt  }
0x45: {  	_ =	shalt  }
0x46: {  	_ =	shalt  }
0x47: {  	_ =	shalt  }
0x48: {  	_ =	shalt  }
0x49: {  	_ =	shalt  }
0x4a: {  	_ =	shalt  }
0x4b: {  	_ =	shalt  }
0x4c: {  	_ =	shalt  }
0x4d: {  	_ =	shalt  }
0x4e: {  	_ =	shalt  }
0x4f: {  	_ =	shalt  }
0x50: {  	_ =	shalt  }
0x51: {  	_ =	shalt  }
0x52: {  	_ =	shalt  }
0x53: {  	_ =	shalt  }
0x54: {  	_ =	shalt  }
0x55: {  	_ =	shalt  }
0x56: {  	_ =	shalt  }
0x57: {  	_ =	shalt  }
0x58: {  	_ =	shalt  }
0x59: {  	_ =	shalt  }
0x5a: {  	_ =	shalt  }
0x5b: {  	_ =	shalt  }
0x5c: {  	_ =	shalt  }
0x5d: {  	_ =	shalt  }
0x5e: {  	_ =	shalt  }
0x5f: {  	_ =	shalt  }
0x60: {  	_ =	shalt  }
0x61: {  	_ =	shalt  }
0x62: {  	_ =	shalt  }
0x63: {  	_ =	shalt  }
0x64: {  	_ =	shalt  }
0x65: {  	_ =	shalt  }
0x66: {  	_ =	shalt  }
0x67: {  	_ =	shalt  }
0x68: {  	_ =	shalt  }
0x69: {  	_ =	shalt  }
0x6a: {  	_ =	shalt  }
0x6b: {  	_ =	shalt  }
0x6c: {  	_ =	shalt  }
0x6d: {  	_ =	shalt  }
0x6e: {  	_ =	shalt  }
0x6f: {  	_ =	shalt  }
0x70: {  	_ =	shalt  }
0x71: {  	_ =	shalt  }
0x72: {  	_ =	shalt  }
0x73: {  	_ =	shalt  }
0x74: {  	_ =	shalt  }
0x75: {  	_ =	shalt  }
0x76: {  	_ =	shalt  }
0x77: {  	_ =	shalt  }
0x78: {  	_ =	shalt  }
0x79: {  	_ =	shalt  }
0x7a: {  	_ =	shalt  }
0x7b: {  	_ =	shalt  }
0x7c: {  	_ =	shalt  }
0x7d: {  	_ =	shalt  }
0x7e: {  	_ =	shalt  }
0x7f: {  	_ =	shalt  }
0x80: {  	_ =	shalt  }
0x81: {  	_ =	shalt  }
0x82: {  	_ =	shalt  }
0x83: {  	_ =	shalt  }
0x84: {  	_ =	shalt  }
0x85: {  	_ =	shalt  }
0x86: {  	_ =	shalt  }
0x87: {  	_ =	shalt  }
.Lfunc_end0:
.L_simem_size_0:
called_computation_lowered:
.L_overlay_start_0:
0x88: {  	s2 =	sld [smem:$0x3FD9]  }
0x89: {  	s3 =	sld [smem:$0x3FFE];
	_ =	sdelay $0x1  }
0x8a: {  	s1 =	srdreg.scid  }
0x8b: {  	s0 =	sand.u32 $0x1, s1  }
0x8c: {  	s14 =	sshll.u32 s0, $0xA;
	s2 =	sadd.s32 s3, s2  }
0x8d: {  	s2 =	sadd.s32 s2, s14  }
0x8e: {  	[smem:$0x3FBB] =	sst s2  }
0x8f: {  	_ = 	snop  }
0x90: {  	s2 =	sld [smem:$0x3FD0];
	_ =	sdelay $0x2  }
0x91: {  	s15 =	simm.s32 $0xA;
	s4 =	simm.s32 $0x10  }
0x92: {  	[smem:s4], [sflag:s15] =	dma.local [hbm:s2], $0x1  }
0x93: {  	_ =	swait.eq [sflag:s15], $0x1  }
0x94: {  	[sflag:s15] =	ssyncset.done $0x0  }
0x95: {  	[sflag:s15] =	ssyncadd.s32 $0xFFFFFFFF  }
0x96: {  	s16 =	sld [smem:$0x10];
	(tm) =	ssettm $0x1  }
0x97: {  	s17 =	sld [smem:$0x3FFB];
	_ =	sdelay $0x3  }
0x98: {  	_ =	strace s17  }
0x99: {  	s3 =	sld [smem:$0x3FFC];
	_ =	sdelay $0x3  }
0x9a: {  	_ =	strace s3  }
0x9b: {  	s3 =	sld [smem:$0x3FFD];
	_ =	sdelay $0x3  }
0x9c: {  	_ =	strace s3  }
0x9d: {  	_ =	strace $0x8FFFFFFF  }
0x9e: {  	s18 =	sld [smem:$0x3FDB];
	_ =	sdelay $0x1  }
0x9f: {  	s19 =	simm.s32 $_scs_section_size  }
0xa0: {  	s5 =	simm.s32 $_size__tile_overlayer_lowered;
	s6 =	simm.s32 $_tile_overlayer_lowered  }
0xa1: {  	s22 =	simm.s32 $0x1BFF;
	s21 =	sshll.u32 s6, $0x1;
	s3 =	sadd.s32 s19, s18  }
0xa2: {  	s7 =	simm.s32 $0x0;
	s20 =	sshll.u32 s5, $0x1;
	s5 =	sadd.s32 s21, s3  }
0xa3: {  	[timem:s7], [sflag:s22] =	dma.local [hbm:s5], s20  }
0xa4: {  	_ =	swait.ge [sflag:s22], s20  }
0xa5: {  	s4 =	ssub.s32 $0x0, s20;
	[sflag:s22] =	ssyncset.done $0x0  }
0xa6: {  	[sflag:s22] =	ssyncadd.s32 s4;
	_ =	sdelay $0x1  }
0xa7: {  	s23 =	simm.s32 $0x1B8B  }
0xa8: {  	_ =	swait.ge [sflag:s23], $0x1  }
0xa9: {  	[sflag:s23] =	ssyncset.done $0x0  }
0xaa: {  	s25 =	simm.s32 $0x1B8E;
	s24 =	sld [smem:$0x3FFE];
	[sflag:s23] =	ssyncadd.s32 $0xFFFFFFFF  }
0xab: {  	s26 =	simm.s32 $execute0_lowered;
	[smem:$0x3FD2] =	sst s25  }
0xac: {  	s5 =	sshll.u32 s26, $0x1;
	_ =	strace $0x80000046;
	[dreg:$0x1] =	wrdreg $0xFFFFFFFF  }
0xad: {  	s28 =	simm.s32 $_size_execute0_lowered;
	s3 =	sadd.s32 s3, s5;
	[dreg:$0x0] =	wrdreg $0x0  }
0xae: {  	s5 =	sshll.u32 s28, $0x1;
	[dreg:$0x2] =	wrdreg s3  }
0xaf: {  	[dreg:$0x3] =	wrdreg s5  }
0xb0: {  	[dreg:$0x4] =	wrdreg $0xC0  }
0xb1: {  	_ =	task [dreg:s7], $0x5FFFF  }
0xb2: {  	[dreg:$0x1] =	wrdreg $0xFFFFFFFF  }
0xb3: {  	[dreg:$0x0] =	wrdreg $0x60  }
0xb4: {  	[dreg:$0x2] =	wrdreg s24  }
0xb5: {  	[dreg:$0x3] =	wrdreg s16  }
0xb6: {  	[dreg:$0x4] =	wrdreg $0xB4000  }
0xb7: {  	[dreg:$0x5] =	wrdreg $0x9  }
0xb8: {  	_ =	task.clear_ibuf [dreg:s7], $0x6FFFF;
	_ =	strace $0x90000046  }
0xb9: {  	s29 =	simm.s32 $0x9;
	_ =	strace $0x80000048  }
0xba: {  	_ =	swait.ge [sflag:s29], $0x1  }
0xbb: {  	[sflag:s29] =	ssyncadd.s32 $0xFFFFFFFF  }
0xbc: {  	_ =	strace $0x90000048  }
0xbd: {  	_ =	sfence  }
0xbe: {  	s30 =	sld [smem:$0x0];
	_ =	sdelay $0x2  }
0xbf: {  	s31 =	sshll.u32 s1, $0xD;
	s1 =	sshrl.u32 s1, $0x2  }
0xc0: {  	s3 =	sand.u32 $0x4000, s31;
	s1 =	sadd.s32 s1, s30  }
0xc1: {  	s0 =	sor.u32 s3, s0;
	s1 =	sshll.u32 s1, $0x11  }
0xc2: {  	s0 =	sor.u32 s1, s0  }
0xc3: {  	s0 =	sadd.s32 $0x8F2B, s0  }
0xc4: {  	[sflag:s0] =	ssyncadd.remote.s32 $0x1  }
0xc5: {  	_ =	sfence.sel $0xFFFF  }
0xc6: {  	[dreg:$0x0] =	wrdreg $0xFFFFFFFF;
	(pc) =	sbr.abs _section_cstart, $3  }
0xc7: {  	[dreg:$0x1] =	wrdreg $0xFFFFFFFF  }
0xc8: {  	_ =	task.clear_ibuf [dreg:s7], $0x2FFFF;
	_ =	strace $0x9FFFFFFF  }
0xc9: {  	(tm) =	ssettm $0x7FFFFFFF  }
tec
execute0_lowered:
.L_overlay_start_1:
0x0: {  	(tag) =	ssettag $0x1  }
0x1: {  	s3 =	rddreg [dreg:$0x0]  }
0x2: {  	s0 =	rddreg [dreg:$0x1]  }
0x3: {  	s1 =	rddreg [dreg:$0x2];
	s2 =	simm.s32 $0x0;
	s4 =	srdreg.scid  }
0x4: {  	s13 =	stileid.u32;
	s22 =	simm.s32 $0x480;
	s24 =	simm.s32 $0x100  }
0x5: {  	s26 =	simm.s32 $0x500;
	s28 =	simm.s32 $0x40;
	s29 =	simm.s32 $0x2C00  }
0x6: {  	s31 =	simm.s32 $0x4C00;
	[smem:$0x7FF] =	sst s2;
	s6 =	sand.u32 $0x1, s4  }
0x7: {  	s5 =	sshll.u32 s13, $0x5;
	s14 =	sshll.u32 s13, $0x3;
	s8 =	smul.u32 $0x14000, s13  }
0x8: {  	s11 =	sshrl.u32 s13, $0x3;
	s4 =	sadd.s32 $0x78600, s3;
	s12 =	sshll.u32 s13, $0x7  }
0x9: {  	s17 =	smul.u32 $0x50000, s13;
	s13 =	simm.s32 $0x200;
	_ =	strace $0x80000047  }
0xa: {  	p0 =	seq.s32 s6, $0x0;
	s7 =	smul.u32 $0x140000, s6;
	[dreg:$0x4] =	wrdreg s22  }
0xb: {  	s9 =	sor.u32 $0x200, s14;
	s10 =	smul.u32 $0x28000, s6;
	[dreg:$0x5] =	wrdreg s24  }
0xc: {  	s11 =	smul.u32 $0x14000, s11;
	s16 =	sand.u32 $0x380, s12;
	[dreg:$0x6] =	wrdreg s26  }
0xd: {  	s6 =	ssub.s32 $0x2, s6;
	[dreg:$0x9] =	wrdreg s13;
	s22 =	simm.s32 $0x300  }
0xe: {  	s24 =	simm.s32 $0x700;
	s26 =	simm.s32 $0x380;
	s13 =	simm.s32 $0x3  }
0xf: {  	s9 =	smov.u32 @p0 s5;
	s5 =	sadd.s32 $0x2A400, s3;
	[dreg:$0xd] =	wrdreg s22  }
0x10: {  	s18 =	sshrl.u32 s6, $0x1;
	s19 =	sshrl.u32 s17, $0x2;
	[dreg:$0xe] =	wrdreg s24  }
0x11: {  	[dreg:$0xf] =	wrdreg s26;
	s24 =	simm.s32 $0x9;
	s26 =	simm.s32 $0xA80  }
0x12: {  	s15 =	sadd.s32 s10, s11;
	s6 =	ssub.s32 s6, s18;
	s18 =	simm.s32 $0x280  }
0x13: {  	s10 =	simm.s32 $0x20;
	s17 =	sadd.s32 s19, s1;
	[dreg:$0xb] =	wrdreg s18  }
0x14: {  	s9 =	sshll.u32 s9, $0x7;
	s10 =	simm.s32 @!p0 $0x8;
	[dreg:$0x12] =	wrdreg s17  }
0x15: {  	s7 =	sadd.s32 s8, s7;
	s21 =	smax.u32 s6, $0x1;
	[dreg:$0x11] =	wrdreg s10  }
0x16: {  	s11 =	sadd.s32 s9, s3;
	s23 =	sadd.s32 $0x2000, s17;
	[dreg:$0x15] =	wrdreg s21  }
0x17: {  	s7 =	sshrl.u32 s7, $0x3;
	s25 =	sadd.s32 $0x4000, s17;
	[dreg:$0x16] =	wrdreg s23  }
0x18: {  	s8 =	sor.u32 s16, s15;
	s30 =	sadd.s32 $0x6000, s17;
	[dreg:$0x17] =	wrdreg s25  }
0x19: {  	s12 =	sadd.s32 $0xA000, s17;
	s14 =	sadd.s32 $0xC000, s17;
	[dreg:$0x18] =	wrdreg s30  }
0x1a: {  	s15 =	simm.s32 $0x600;
	s16 =	sadd.s32 $0xE000, s17;
	[dreg:$0x1a] =	wrdreg s12  }
0x1b: {  	s19 =	sadd.s32 $0x10000, s17;
	s0 =	sadd.s32 s9, s0;
	[dreg:$0x1b] =	wrdreg s14  }
0x1c: {  	s9 =	simm.s32 $0x2;
	s6 =	simm.s32 $0x0;
	[dreg:$0x1c] =	wrdreg s16  }
0x1d: {  	s18 =	simm.s32 $0x400;
	s8 =	sshrl.u32 s8, $0x3;
	[dreg:$0xa] =	wrdreg s15  }
0x1e: {  	s7 =	sadd.s32 s7, s3;
	s10 =	simm.s32 $0x580;
	[dreg:$0x1d] =	wrdreg s19  }
0x1f: {  	s21 =	sadd.s32 $0x12000, s17;
	s23 =	sadd.s32 $0x2400, s11;
	[smem:$0x7FD] =	sst s0  }
0x20: {  	s25 =	sadd.s32 $0x16400, s11;
	s30 =	simm.s32 $0x780;
	[dreg:$0x8] =	wrdreg s10  }
0x21: {  	s0 =	simm.s32 $0x6C00;
	s11 =	simm.s32 $0x6;
	[dreg:$0x1e] =	wrdreg s21  }
0x22: {  	s14 =	simm.s32 $0x4;
	s15 =	simm.s32 $0x7;
	[dreg:$0x1f] =	wrdreg s23  }
0x23: {  	s16 =	simm.s32 $0x8;
	s19 =	simm.s32 $0xB00;
	[smem:$0x7FC] =	sst s25  }
0x24: {  	s3 =	sadd.s32 s8, s3;
	s20 =	sadd.s32 $0x84000, s7;
	[dreg:$0x10] =	wrdreg s30  }
0x25: {  	s7 =	simm.s32 $0x180;
	s8 =	sadd.s32 $0x8000, s17;
	[dreg:$0x14] =	wrdreg s20  }
0x26: {  	s23 =	simm.s32 $0xC00;
	s10 =	simm.s32 $0x5;
	[dreg:$0x19] =	wrdreg s8  }
0x27: {  	s21 =	simm.s32 $0xA00;
	s3 =	sadd.s32 $0x7A000, s3;
	[dreg:$0x7] =	wrdreg s7  }
0x28: {  	s20 =	simm.s32 $0x680;
	s8 =	simm.s32 $0x1;
	[dreg:$0x13] =	wrdreg s3  }
0x29: {  	v0 =	vimm.f32 $0.0e+00;
	v1 =	vimm.f32 $1.000000000e+00;
	[dreg:$0xc] =	wrdreg s20;
	s3 =	simm.s32 $0x8C00;
	s20 =	simm.s32 $0xB80  }
.LBB2_1:
0x2a: {  	s7 =	simm.s32 $0x0;
	s22 =	simm.s32 $0x200  }
.LBB2_2:
0x2b: {  	p0 =	sne.s32 s22, $0x7E00;
	[tilespmem:s7+$0xC70] =	vst v0  }
0x2c: {  	[tilespmem:s7+$0xC00] =	vst v0  }
0x2d: {  	[tilespmem:s7+$0xC10] =	vst v0  }
.Ltmp0:
0x2e: {  	[tilespmem:s7+$0xC20] =	vst v0;
	(pc) =	sbr.rel @p0 .LBB2_2-.Ltmp0, $4  }
0x2f: {  	[tilespmem:s7+$0xC30] =	vst v0  }
0x30: {  	[tilespmem:s7+$0xC40] =	vst v0  }
0x31: {  	[tilespmem:s7+$0xC50] =	vst v0  }
0x32: {  	[tilespmem:s7+$0xC60] =	vst v0;
	s7 =	sshra.s32 s22, $0x2;
	s22 =	sadd.s32 $0x200, s22  }
0x33: {  	[tilespmem:s7+$0xC70] =	vst v0  }
0x34: {  	[tilespmem:s7+$0xC00] =	vst v0  }
0x35: {  	[tilespmem:s7+$0xC10] =	vst v0  }
0x36: {  	[tilespmem:s7+$0xC20] =	vst v0  }
0x37: {  	[tilespmem:s7+$0xC30] =	vst v0  }
0x38: {  	[tilespmem:s7+$0xC40] =	vst v0  }
0x39: {  	[tilespmem:s7+$0xC50] =	vst v0  }
0x3a: {  	[smem:$0x7FB] =	sst s6;
	[tilespmem:s7+$0xC60] =	vst v0  }
0x3b: {  	[spmem:s17] =	stream.linear.scatter [tilespmem:s23], [sflag:$0x9], $0x2000, $0x38;
	[tilespmem:$0x1F400] =	vst v63  }
0x3c: {  	_ =	swait.ge [sflag:s24], $0x2000  }
0x3d: {  	[sflag:s24] =	ssyncset.done $0x0  }
0x3e: {  	s22 =	rddreg [dreg:$0x16];
	[sflag:s24] =	ssyncadd.s32 $0xFFFFE000  }
0x3f: {  	[spmem:s22] =	stream.linear.scatter [tilespmem:s23], [sflag:$0x9], $0x2000, $0x38;
	[tilespmem:$0x1F400] =	vst v63  }
0x40: {  	_ =	swait.ge [sflag:s24], $0x2000  }
0x41: {  	[sflag:s24] =	ssyncset.done $0x0  }
0x42: {  	s25 =	rddreg [dreg:$0x17];
	[sflag:s24] =	ssyncadd.s32 $0xFFFFE000  }
0x43: {  	[spmem:s25] =	stream.linear.scatter [tilespmem:s23], [sflag:$0x9], $0x2000, $0x38;
	[tilespmem:$0x1F400] =	vst v63  }
0x44: {  	_ =	swait.ge [sflag:s24], $0x2000  }
0x45: {  	[sflag:s24] =	ssyncset.done $0x0  }
0x46: {  	s30 =	rddreg [dreg:$0x18];
	[sflag:s24] =	ssyncadd.s32 $0xFFFFE000  }
0x47: {  	[spmem:s30] =	stream.linear.scatter [tilespmem:s23], [sflag:$0x9], $0x2000, $0x38;
	[tilespmem:$0x1F400] =	vst v63  }
0x48: {  	_ =	swait.ge [sflag:s24], $0x2000  }
0x49: {  	[sflag:s24] =	ssyncset.done $0x0  }
0x4a: {  	s6 =	rddreg [dreg:$0x19];
	[sflag:s24] =	ssyncadd.s32 $0xFFFFE000  }
0x4b: {  	[spmem:s6] =	stream.linear.scatter [tilespmem:s23], [sflag:$0x9], $0x2000, $0x38;
	[tilespmem:$0x1F400] =	vst v63  }
0x4c: {  	_ =	swait.ge [sflag:s24], $0x2000  }
0x4d: {  	[sflag:s24] =	ssyncset.done $0x0  }
0x4e: {  	s12 =	rddreg [dreg:$0x1a];
	[sflag:s24] =	ssyncadd.s32 $0xFFFFE000  }
0x4f: {  	[spmem:s12] =	stream.linear.scatter [tilespmem:s23], [sflag:$0x9], $0x2000, $0x38;
	[tilespmem:$0x1F400] =	vst v63  }
0x50: {  	_ =	swait.ge [sflag:s24], $0x2000  }
0x51: {  	[sflag:s24] =	ssyncset.done $0x0  }
0x52: {  	s17 =	rddreg [dreg:$0x1b];
	[sflag:s24] =	ssyncadd.s32 $0xFFFFE000  }
0x53: {  	[spmem:s17] =	stream.linear.scatter [tilespmem:s23], [sflag:$0x9], $0x2000, $0x38;
	[tilespmem:$0x1F400] =	vst v63  }
0x54: {  	_ =	swait.ge [sflag:s24], $0x2000  }
0x55: {  	[sflag:s24] =	ssyncset.done $0x0  }
0x56: {  	s22 =	rddreg [dreg:$0x1c];
	[sflag:s24] =	ssyncadd.s32 $0xFFFFE000  }
0x57: {  	[spmem:s22] =	stream.linear.scatter [tilespmem:s23], [sflag:$0x9], $0x2000, $0x38;
	[tilespmem:$0x1F400] =	vst v63  }
0x58: {  	_ =	swait.ge [sflag:s24], $0x2000  }
0x59: {  	[sflag:s24] =	ssyncset.done $0x0  }
0x5a: {  	s25 =	rddreg [dreg:$0x1d];
	[sflag:s24] =	ssyncadd.s32 $0xFFFFE000  }
0x5b: {  	[spmem:s25] =	stream.linear.scatter [tilespmem:s23], [sflag:$0x9], $0x2000, $0x38;
	[tilespmem:$0x1F400] =	vst v63  }
0x5c: {  	_ =	swait.ge [sflag:s24], $0x2000  }
0x5d: {  	[sflag:s24] =	ssyncset.done $0x0  }
0x5e: {  	s30 =	rddreg [dreg:$0x1e];
	[sflag:s24] =	ssyncadd.s32 $0xFFFFE000  }
0x5f: {  	[spmem:s30] =	stream.linear.scatter [tilespmem:s23], [sflag:$0x9], $0x2000, $0x38;
	[tilespmem:$0x1F400] =	vst v63  }
0x60: {  	_ =	swait.ge [sflag:s24], $0x2000  }
0x61: {  	[sflag:s24] =	ssyncset.done $0x0  }
0x62: {  	s7 =	simm.s32 $0x40;
	s22 =	simm.s32 $0x0;
	[sflag:s24] =	ssyncadd.s32 $0xFFFFE000  }
.LBB2_4:
0x63: {  	p0 =	sne.s32 s7, $0x9FC0;
	[tilespmem:s22+$0x8C00] =	vst v0;
	s22 =	smov.u32 s7;
	s7 =	sadd.s32 $0x40, s7  }
.Ltmp1:
0x64: {  	(pc) =	sbr.rel @p0 .LBB2_4-.Ltmp1, $2  }
0x65: {  	_ =	sdelay $0x2  }
0x66: {  	s22 =	sshra.s32 s22, $0x2  }
0x67: {  	[tilespmem:s22+$0x8C00] =	vst v0  }
0x68: {  	[bflag:$0x0] =	sbarrier.arrive $0xFFFF  }
0x69: {  	s7 =	sld [smem:$0x7FD]  }
0x6a: {  	s22 =	sld [smem:$0x7FC]  }
0x6b: {  	s30 =	rddreg [dreg:$0x1f]  }
0x6c: {  	s6 =	simm.s32 $0x800;
	s25 =	rddreg [dreg:$0x11]  }
.LBB2_6:
0x6d: {  	[tilespmem:s2], [sflag:$0x9] =	stream.linear.gather [hbm4b:s7+s2], $0x400, $0x38;
	[tilespmem:$0x1F400] =	vst v63  }
0x6e: {  	_ =	swait.ge [sflag:s24], $0x400  }
0x6f: {  	[sflag:s24] =	ssyncset.done $0x0  }
0x70: {  	[sflag:s24] =	ssyncadd.s32 $0xFFFFFC00  }
0x71: {  	[tilespmem:s18], [sflag:$0x9] =	stream.linear.gather [hbm4b:s22+s2], $0x400, $0x38;
	[tilespmem:$0x1F400] =	vst v63  }
0x72: {  	_ =	swait.ge [sflag:s24], $0x400  }
0x73: {  	[sflag:s24] =	ssyncset.done $0x0  }
0x74: {  	[sflag:s24] =	ssyncadd.s32 $0xFFFFFC00  }
0x75: {  	[tilespmem:s6], [sflag:$0x9] =	stream.linear.gather [hbm4b:s30+s2], $0x400, $0x38;
	[tilespmem:$0x1F400] =	vst v63  }
0x76: {  	_ =	swait.ge [sflag:s24], $0x400  }
0x77: {  	[sflag:s24] =	ssyncset.done $0x0  }
0x78: {  	[sflag:s24] =	ssyncadd.s32 $0xFFFFFC00  }
0x79: {  	[tilespmem:s23], [sflag:$0x1] =	stream.indirect.gather [hbm4b:s4+s28], $0x80, s2, s28, $0xb8;
	[tilespmem:$0x1F400] =	vst v63  }
0x7a: {  	_ = 	snop  }
0x7b: {  	[tilespmem:s29], [sflag:$0x2] =	stream.indirect.gather [hbm4b:s5+s28], $0x80, s18, s28, $0xb8;
	[tilespmem:$0x1F400] =	vst v63  }
0x7c: {  	s17 =	simm.s32 $0x80  }
0x7d: {  	[tilespmem:s31], [sflag:$0x5] =	stream.indirect.gather [hbm4b:s4+s28], $0x80, s17, s28, $0xb8;
	[tilespmem:$0x1F400] =	vst v63  }
0x7e: {  	s12 =	rddreg [dreg:$0x4]  }
0x7f: {  	[tilespmem:s0], [sflag:$0x6] =	stream.indirect.gather [hbm4b:s5+s28], $0x80, s12, s28, $0xb8;
	[tilespmem:$0x1F400] =	vst v63  }
0x80: {  	v2 =	vld [tilespmem:$0x800];
	_ =	sdelay $0x7  }
0x81: {  	[tilespmem:v2+s3+$0x0] =	vst.idx.add.f32.msk $0xffff, v1  }
0x82: {  	v2 =	vld [tilespmem:$0x810];
	_ =	sdelay $0x7  }
0x83: {  	[tilespmem:v2+s3+$0x0] =	vst.idx.add.f32.msk $0xffff, v1  }
0x84: {  	v2 =	vld [tilespmem:$0x820];
	_ =	sdelay $0x7  }
0x85: {  	[tilespmem:v2+s3+$0x0] =	vst.idx.add.f32.msk $0xffff, v1  }
0x86: {  	v2 =	vld [tilespmem:$0x830];
	_ =	sdelay $0x7  }
0x87: {  	[tilespmem:v2+s3+$0x0] =	vst.idx.add.f32.msk $0xffff, v1  }
0x88: {  	v2 =	vld [tilespmem:$0x880];
	_ =	sdelay $0x7  }
0x89: {  	[tilespmem:v2+s3+$0x0] =	vst.idx.add.f32.msk $0xffff, v1  }
0x8a: {  	v2 =	vld [tilespmem:$0x890];
	_ =	sdelay $0x7  }
0x8b: {  	[tilespmem:v2+s3+$0x0] =	vst.idx.add.f32.msk $0xffff, v1  }
0x8c: {  	v2 =	vld [tilespmem:$0x8A0];
	_ =	sdelay $0x7  }
0x8d: {  	[tilespmem:v2+s3+$0x0] =	vst.idx.add.f32.msk $0xffff, v1  }
0x8e: {  	v2 =	vld [tilespmem:$0x8B0];
	_ =	sdelay $0x7  }
0x8f: {  	[tilespmem:v2+s3+$0x0] =	vst.idx.add.f32.msk $0xffff, v1  }
0x90: {  	_ =	swait.ge [sflag:s8], $0x2000  }
0x91: {  	[sflag:s8] =	ssyncset.done $0x0  }
0x92: {  	[sflag:s8] =	ssyncadd.s32 $0xFFFFE000  }
0x93: {  	_ =	swait.ge [sflag:s9], $0x2000  }
0x94: {  	[sflag:s9] =	ssyncset.done $0x0  }
0x95: {  	[sflag:s9] =	ssyncadd.s32 $0xFFFFE000  }
0x96: {  	[spmem:s1] =	stream.indirect.scatter.add.f32 [tilespmem:s23], [sflag:$0x3], $0x80, s6, s28, $0xb8;
	[tilespmem:$0x1F400] =	vst v63  }
0x97: {  	_ = 	snop  }
0x98: {  	[spmem:s1] =	stream.indirect.scatter.add.f32 [tilespmem:s29], [sflag:$0x4], $0x80, s6, s28, $0xb8;
	[tilespmem:$0x1F400] =	vst v63  }
0x99: {  	_ =	swait.ge [sflag:s10], $0x2000  }
0x9a: {  	[sflag:s10] =	ssyncset.done $0x0  }
0x9b: {  	[sflag:s10] =	ssyncadd.s32 $0xFFFFE000  }
0x9c: {  	_ =	swait.ge [sflag:s11], $0x2000  }
0x9d: {  	[sflag:s11] =	ssyncset.done $0x0  }
0x9e: {  	s17 =	simm.s32 $0x880;
	[sflag:s11] =	ssyncadd.s32 $0xFFFFE000  }
0x9f: {  	[spmem:s1] =	stream.indirect.scatter.add.f32 [tilespmem:s31], [sflag:$0x7], $0x80, s17, s28, $0xb8;
	[tilespmem:$0x1F400] =	vst v63  }
0xa0: {  	_ = 	snop  }
0xa1: {  	[spmem:s1] =	stream.indirect.scatter.add.f32 [tilespmem:s0], [sflag:$0x8], $0x80, s17, s28, $0xb8;
	[tilespmem:$0x1F400] =	vst v63  }
0xa2: {  	_ =	swait.ge [sflag:s13], $0x2000  }
0xa3: {  	[sflag:s13] =	ssyncset.done $0x0  }
0xa4: {  	[sflag:s13] =	ssyncadd.s32 $0xFFFFE000  }
0xa5: {  	_ =	swait.ge [sflag:s14], $0x2000  }
0xa6: {  	[sflag:s14] =	ssyncset.done $0x0  }
0xa7: {  	s12 =	rddreg [dreg:$0x5];
	[sflag:s14] =	ssyncadd.s32 $0xFFFFE000  }
0xa8: {  	[tilespmem:s23], [sflag:$0x1] =	stream.indirect.gather [hbm4b:s4+s28], $0x80, s12, s28, $0xb8;
	[tilespmem:$0x1F400] =	vst v63  }
0xa9: {  	s17 =	rddreg [dreg:$0x6]  }
0xaa: {  	[tilespmem:s29], [sflag:$0x2] =	stream.indirect.gather [hbm4b:s5+s28], $0x80, s17, s28, $0xb8;
	[tilespmem:$0x1F400] =	vst v63  }
0xab: {  	_ =	swait.ge [sflag:s15], $0x2000  }
0xac: {  	[sflag:s15] =	ssyncset.done $0x0  }
0xad: {  	[sflag:s15] =	ssyncadd.s32 $0xFFFFE000  }
0xae: {  	_ =	swait.ge [sflag:s16], $0x2000  }
0xaf: {  	[sflag:s16] =	ssyncset.done $0x0  }
0xb0: {  	s12 =	rddreg [dreg:$0x7];
	[sflag:s16] =	ssyncadd.s32 $0xFFFFE000  }
0xb1: {  	[tilespmem:s31], [sflag:$0x5] =	stream.indirect.gather [hbm4b:s4+s28], $0x80, s12, s28, $0xb8;
	[tilespmem:$0x1F400] =	vst v63  }
0xb2: {  	s17 =	rddreg [dreg:$0x8]  }
0xb3: {  	[tilespmem:s0], [sflag:$0x6] =	stream.indirect.gather [hbm4b:s5+s28], $0x80, s17, s28, $0xb8;
	[tilespmem:$0x1F400] =	vst v63  }
0xb4: {  	v2 =	vld [tilespmem:$0x900];
	_ =	sdelay $0x7  }
0xb5: {  	[tilespmem:v2+s3+$0x0] =	vst.idx.add.f32.msk $0xffff, v1  }
0xb6: {  	v2 =	vld [tilespmem:$0x910];
	_ =	sdelay $0x7  }
0xb7: {  	[tilespmem:v2+s3+$0x0] =	vst.idx.add.f32.msk $0xffff, v1  }
0xb8: {  	v2 =	vld [tilespmem:$0x920];
	_ =	sdelay $0x7  }
0xb9: {  	[tilespmem:v2+s3+$0x0] =	vst.idx.add.f32.msk $0xffff, v1  }
0xba: {  	v2 =	vld [tilespmem:$0x930];
	_ =	sdelay $0x7  }
0xbb: {  	[tilespmem:v2+s3+$0x0] =	vst.idx.add.f32.msk $0xffff, v1  }
0xbc: {  	v2 =	vld [tilespmem:$0x980];
	_ =	sdelay $0x7  }
0xbd: {  	[tilespmem:v2+s3+$0x0] =	vst.idx.add.f32.msk $0xffff, v1  }
0xbe: {  	v2 =	vld [tilespmem:$0x990];
	_ =	sdelay $0x7  }
0xbf: {  	[tilespmem:v2+s3+$0x0] =	vst.idx.add.f32.msk $0xffff, v1  }
0xc0: {  	v2 =	vld [tilespmem:$0x9A0];
	_ =	sdelay $0x7  }
0xc1: {  	[tilespmem:v2+s3+$0x0] =	vst.idx.add.f32.msk $0xffff, v1  }
0xc2: {  	v2 =	vld [tilespmem:$0x9B0];
	_ =	sdelay $0x7  }
0xc3: {  	[tilespmem:v2+s3+$0x0] =	vst.idx.add.f32.msk $0xffff, v1  }
0xc4: {  	_ =	swait.ge [sflag:s8], $0x2000  }
0xc5: {  	[sflag:s8] =	ssyncset.done $0x0  }
0xc6: {  	[sflag:s8] =	ssyncadd.s32 $0xFFFFE000  }
0xc7: {  	_ =	swait.ge [sflag:s9], $0x2000  }
0xc8: {  	[sflag:s9] =	ssyncset.done $0x0  }
0xc9: {  	s17 =	simm.s32 $0x900;
	[sflag:s9] =	ssyncadd.s32 $0xFFFFE000  }
0xca: {  	[spmem:s1] =	stream.indirect.scatter.add.f32 [tilespmem:s23], [sflag:$0x3], $0x80, s17, s28, $0xb8;
	[tilespmem:$0x1F400] =	vst v63  }
0xcb: {  	_ = 	snop  }
0xcc: {  	[spmem:s1] =	stream.indirect.scatter.add.f32 [tilespmem:s29], [sflag:$0x4], $0x80, s17, s28, $0xb8;
	[tilespmem:$0x1F400] =	vst v63  }
0xcd: {  	_ =	swait.ge [sflag:s10], $0x2000  }
0xce: {  	[sflag:s10] =	ssyncset.done $0x0  }
0xcf: {  	[sflag:s10] =	ssyncadd.s32 $0xFFFFE000  }
0xd0: {  	_ =	swait.ge [sflag:s11], $0x2000  }
0xd1: {  	[sflag:s11] =	ssyncset.done $0x0  }
0xd2: {  	s17 =	simm.s32 $0x980;
	[sflag:s11] =	ssyncadd.s32 $0xFFFFE000  }
0xd3: {  	[spmem:s1] =	stream.indirect.scatter.add.f32 [tilespmem:s31], [sflag:$0x7], $0x80, s17, s28, $0xb8;
	[tilespmem:$0x1F400] =	vst v63  }
0xd4: {  	_ = 	snop  }
0xd5: {  	[spmem:s1] =	stream.indirect.scatter.add.f32 [tilespmem:s0], [sflag:$0x8], $0x80, s17, s28, $0xb8;
	[tilespmem:$0x1F400] =	vst v63  }
0xd6: {  	_ =	swait.ge [sflag:s13], $0x2000  }
0xd7: {  	[sflag:s13] =	ssyncset.done $0x0  }
0xd8: {  	[sflag:s13] =	ssyncadd.s32 $0xFFFFE000  }
0xd9: {  	_ =	swait.ge [sflag:s14], $0x2000  }
0xda: {  	[sflag:s14] =	ssyncset.done $0x0  }
0xdb: {  	s12 =	rddreg [dreg:$0x9];
	[sflag:s14] =	ssyncadd.s32 $0xFFFFE000  }
0xdc: {  	[tilespmem:s23], [sflag:$0x1] =	stream.indirect.gather [hbm4b:s4+s28], $0x80, s12, s28, $0xb8;
	[tilespmem:$0x1F400] =	vst v63  }
0xdd: {  	s17 =	rddreg [dreg:$0xa]  }
0xde: {  	[tilespmem:s29], [sflag:$0x2] =	stream.indirect.gather [hbm4b:s5+s28], $0x80, s17, s28, $0xb8;
	[tilespmem:$0x1F400] =	vst v63  }
0xdf: {  	_ =	swait.ge [sflag:s15], $0x2000  }
0xe0: {  	[sflag:s15] =	ssyncset.done $0x0  }
0xe1: {  	[sflag:s15] =	ssyncadd.s32 $0xFFFFE000  }
0xe2: {  	_ =	swait.ge [sflag:s16], $0x2000  }
0xe3: {  	[sflag:s16] =	ssyncset.done $0x0  }
0xe4: {  	s12 =	rddreg [dreg:$0xb];
	[sflag:s16] =	ssyncadd.s32 $0xFFFFE000  }
0xe5: {  	[tilespmem:s31], [sflag:$0x5] =	stream.indirect.gather [hbm4b:s4+s28], $0x80, s12, s28, $0xb8;
	[tilespmem:$0x1F400] =	vst v63  }
0xe6: {  	s17 =	rddreg [dreg:$0xc]  }
0xe7: {  	[tilespmem:s0], [sflag:$0x6] =	stream.indirect.gather [hbm4b:s5+s28], $0x80, s17, s28, $0xb8;
	[tilespmem:$0x1F400] =	vst v63  }
0xe8: {  	v2 =	vld [tilespmem:$0xA00];
	_ =	sdelay $0x7  }
0xe9: {  	[tilespmem:v2+s3+$0x0] =	vst.idx.add.f32.msk $0xffff, v1  }
0xea: {  	v2 =	vld [tilespmem:$0xA10];
	_ =	sdelay $0x7  }
0xeb: {  	[tilespmem:v2+s3+$0x0] =	vst.idx.add.f32.msk $0xffff, v1  }
0xec: {  	v2 =	vld [tilespmem:$0xA20];
	_ =	sdelay $0x7  }
0xed: {  	[tilespmem:v2+s3+$0x0] =	vst.idx.add.f32.msk $0xffff, v1  }
0xee: {  	v2 =	vld [tilespmem:$0xA30];
	_ =	sdelay $0x7  }
0xef: {  	[tilespmem:v2+s3+$0x0] =	vst.idx.add.f32.msk $0xffff, v1  }
0xf0: {  	v2 =	vld [tilespmem:$0xA80];
	_ =	sdelay $0x7  }
0xf1: {  	[tilespmem:v2+s3+$0x0] =	vst.idx.add.f32.msk $0xffff, v1  }
0xf2: {  	v2 =	vld [tilespmem:$0xA90];
	_ =	sdelay $0x7  }
0xf3: {  	[tilespmem:v2+s3+$0x0] =	vst.idx.add.f32.msk $0xffff, v1  }
0xf4: {  	v2 =	vld [tilespmem:$0xAA0];
	_ =	sdelay $0x7  }
0xf5: {  	[tilespmem:v2+s3+$0x0] =	vst.idx.add.f32.msk $0xffff, v1  }
0xf6: {  	v2 =	vld [tilespmem:$0xAB0];
	_ =	sdelay $0x7  }
0xf7: {  	[tilespmem:v2+s3+$0x0] =	vst.idx.add.f32.msk $0xffff, v1  }
0xf8: {  	_ =	swait.ge [sflag:s8], $0x2000  }
0xf9: {  	[sflag:s8] =	ssyncset.done $0x0  }
0xfa: {  	[sflag:s8] =	ssyncadd.s32 $0xFFFFE000  }
0xfb: {  	_ =	swait.ge [sflag:s9], $0x2000  }
0xfc: {  	[sflag:s9] =	ssyncset.done $0x0  }
0xfd: {  	[sflag:s9] =	ssyncadd.s32 $0xFFFFE000  }
0xfe: {  	[spmem:s1] =	stream.indirect.scatter.add.f32 [tilespmem:s23], [sflag:$0x3], $0x80, s21, s28, $0xb8;
	[tilespmem:$0x1F400] =	vst v63  }
0xff: {  	_ = 	snop  }
0x100: {  	[spmem:s1] =	stream.indirect.scatter.add.f32 [tilespmem:s29], [sflag:$0x4], $0x80, s21, s28, $0xb8;
	[tilespmem:$0x1F400] =	vst v63  }
0x101: {  	_ =	swait.ge [sflag:s10], $0x2000  }
0x102: {  	[sflag:s10] =	ssyncset.done $0x0  }
0x103: {  	[sflag:s10] =	ssyncadd.s32 $0xFFFFE000  }
0x104: {  	_ =	swait.ge [sflag:s11], $0x2000  }
0x105: {  	[sflag:s11] =	ssyncset.done $0x0  }
0x106: {  	[sflag:s11] =	ssyncadd.s32 $0xFFFFE000  }
0x107: {  	[spmem:s1] =	stream.indirect.scatter.add.f32 [tilespmem:s31], [sflag:$0x7], $0x80, s26, s28, $0xb8;
	[tilespmem:$0x1F400] =	vst v63  }
0x108: {  	_ = 	snop  }
0x109: {  	[spmem:s1] =	stream.indirect.scatter.add.f32 [tilespmem:s0], [sflag:$0x8], $0x80, s26, s28, $0xb8;
	[tilespmem:$0x1F400] =	vst v63  }
0x10a: {  	_ =	swait.ge [sflag:s13], $0x2000  }
0x10b: {  	[sflag:s13] =	ssyncset.done $0x0  }
0x10c: {  	[sflag:s13] =	ssyncadd.s32 $0xFFFFE000  }
0x10d: {  	_ =	swait.ge [sflag:s14], $0x2000  }
0x10e: {  	[sflag:s14] =	ssyncset.done $0x0  }
0x10f: {  	s12 =	rddreg [dreg:$0xd];
	[sflag:s14] =	ssyncadd.s32 $0xFFFFE000  }
0x110: {  	[tilespmem:s23], [sflag:$0x1] =	stream.indirect.gather [hbm4b:s4+s28], $0x80, s12, s28, $0xb8;
	[tilespmem:$0x1F400] =	vst v63  }
0x111: {  	s17 =	rddreg [dreg:$0xe]  }
0x112: {  	[tilespmem:s29], [sflag:$0x2] =	stream.indirect.gather [hbm4b:s5+s28], $0x80, s17, s28, $0xb8;
	[tilespmem:$0x1F400] =	vst v63  }
0x113: {  	_ =	swait.ge [sflag:s15], $0x2000  }
0x114: {  	[sflag:s15] =	ssyncset.done $0x0  }
0x115: {  	[sflag:s15] =	ssyncadd.s32 $0xFFFFE000  }
0x116: {  	_ =	swait.ge [sflag:s16], $0x2000  }
0x117: {  	[sflag:s16] =	ssyncset.done $0x0  }
0x118: {  	s12 =	rddreg [dreg:$0xf];
	[sflag:s16] =	ssyncadd.s32 $0xFFFFE000  }
0x119: {  	[tilespmem:s31], [sflag:$0x5] =	stream.indirect.gather [hbm4b:s4+s28], $0x80, s12, s28, $0xb8;
	[tilespmem:$0x1F400] =	vst v63  }
0x11a: {  	s17 =	rddreg [dreg:$0x10]  }
0x11b: {  	[tilespmem:s0], [sflag:$0x6] =	stream.indirect.gather [hbm4b:s5+s28], $0x80, s17, s28, $0xb8;
	[tilespmem:$0x1F400] =	vst v63  }
0x11c: {  	v2 =	vld [tilespmem:$0xB00];
	_ =	sdelay $0x7  }
0x11d: {  	[tilespmem:v2+s3+$0x0] =	vst.idx.add.f32.msk $0xffff, v1  }
0x11e: {  	v2 =	vld [tilespmem:$0xB10];
	_ =	sdelay $0x7  }
0x11f: {  	[tilespmem:v2+s3+$0x0] =	vst.idx.add.f32.msk $0xffff, v1  }
0x120: {  	v2 =	vld [tilespmem:$0xB20];
	_ =	sdelay $0x7  }
0x121: {  	[tilespmem:v2+s3+$0x0] =	vst.idx.add.f32.msk $0xffff, v1  }
0x122: {  	v2 =	vld [tilespmem:$0xB30];
	_ =	sdelay $0x7  }
0x123: {  	[tilespmem:v2+s3+$0x0] =	vst.idx.add.f32.msk $0xffff, v1  }
0x124: {  	v2 =	vld [tilespmem:$0xB80];
	_ =	sdelay $0x7  }
0x125: {  	[tilespmem:v2+s3+$0x0] =	vst.idx.add.f32.msk $0xffff, v1  }
0x126: {  	v2 =	vld [tilespmem:$0xB90];
	_ =	sdelay $0x7  }
0x127: {  	[tilespmem:v2+s3+$0x0] =	vst.idx.add.f32.msk $0xffff, v1  }
0x128: {  	v2 =	vld [tilespmem:$0xBA0];
	_ =	sdelay $0x7  }
0x129: {  	[tilespmem:v2+s3+$0x0] =	vst.idx.add.f32.msk $0xffff, v1  }
0x12a: {  	v2 =	vld [tilespmem:$0xBB0];
	_ =	sdelay $0x7  }
0x12b: {  	[tilespmem:v2+s3+$0x0] =	vst.idx.add.f32.msk $0xffff, v1  }
0x12c: {  	_ =	swait.ge [sflag:s8], $0x2000  }
0x12d: {  	[sflag:s8] =	ssyncset.done $0x0  }
0x12e: {  	[sflag:s8] =	ssyncadd.s32 $0xFFFFE000  }
0x12f: {  	_ =	swait.ge [sflag:s9], $0x2000  }
0x130: {  	[sflag:s9] =	ssyncset.done $0x0  }
0x131: {  	[sflag:s9] =	ssyncadd.s32 $0xFFFFE000  }
0x132: {  	[spmem:s1] =	stream.indirect.scatter.add.f32 [tilespmem:s23], [sflag:$0x3], $0x80, s19, s28, $0xb8;
	[tilespmem:$0x1F400] =	vst v63  }
0x133: {  	_ = 	snop  }
0x134: {  	[spmem:s1] =	stream.indirect.scatter.add.f32 [tilespmem:s29], [sflag:$0x4], $0x80, s19, s28, $0xb8;
	[tilespmem:$0x1F400] =	vst v63  }
0x135: {  	_ =	swait.ge [sflag:s10], $0x2000  }
0x136: {  	[sflag:s10] =	ssyncset.done $0x0  }
0x137: {  	[sflag:s10] =	ssyncadd.s32 $0xFFFFE000  }
0x138: {  	_ =	swait.ge [sflag:s11], $0x2000  }
0x139: {  	[sflag:s11] =	ssyncset.done $0x0  }
0x13a: {  	[sflag:s11] =	ssyncadd.s32 $0xFFFFE000  }
0x13b: {  	[spmem:s1] =	stream.indirect.scatter.add.f32 [tilespmem:s31], [sflag:$0x7], $0x80, s20, s28, $0xb8;
	[tilespmem:$0x1F400] =	vst v63  }
0x13c: {  	_ = 	snop  }
0x13d: {  	[spmem:s1] =	stream.indirect.scatter.add.f32 [tilespmem:s0], [sflag:$0x8], $0x80, s20, s28, $0xb8;
	[tilespmem:$0x1F400] =	vst v63  }
0x13e: {  	_ =	swait.ge [sflag:s13], $0x2000  }
0x13f: {  	[sflag:s13] =	ssyncset.done $0x0  }
0x140: {  	[sflag:s13] =	ssyncadd.s32 $0xFFFFE000  }
0x141: {  	_ =	swait.ge [sflag:s14], $0x2000  }
0x142: {  	[sflag:s14] =	ssyncset.done $0x0  }
0x143: {  	[sflag:s14] =	ssyncadd.s32 $0xFFFFE000  }
0x144: {  	p0 =	sne.s32 s25, $0x1;
	_ =	swait.ge [sflag:s15], $0x2000  }
.Ltmp2:
0x145: {  	[sflag:s15] =	ssyncset.done $0x0;
	(pc) =	sbr.rel @p0 .LBB2_6-.Ltmp2, $4  }
0x146: {  	[sflag:s15] =	ssyncadd.s32 $0xFFFFE000  }
0x147: {  	_ =	swait.ge [sflag:s16], $0x2000  }
0x148: {  	s7 =	sadd.s32 $0x80, s7;
	s25 =	sadd.s32 $0xFFFFFFFF, s25;
	[sflag:s16] =	ssyncset.done $0x0  }
0x149: {  	s22 =	sadd.s32 $0x80, s22;
	s30 =	sadd.s32 $0x80, s30;
	[sflag:s16] =	ssyncadd.s32 $0xFFFFE000  }
0x14a: {  	s7 =	rddreg [dreg:$0x13];
	s6 =	simm.s32 $0x80  }
0x14b: {  	[hbm4b:s7+s6] =	stream.strided.scatter [tilespmem:s3], [sflag:$0x9], $0x2800, s18, s6, $0x38;
	[tilespmem:$0x1F400] =	vst v63  }
0x14c: {  	_ =	swait.ge [sflag:s24], $0x2800  }
0x14d: {  	[sflag:s24] =	ssyncset.done $0x0  }
0x14e: {  	[sflag:s24] =	ssyncadd.s32 $0xFFFFD800  }
0x14f: {  	s22 =	stileid.u32;
	[bflag:$0x0] =	sbarrier.arrive $0xFFFF  }
0x150: {  	s7 =	sshll.u32 s22, $0x6;
	s17 =	rddreg [dreg:$0x12]  }
0x151: {  	s7 =	sor.u32 $0x1C09, s7;
	s22 =	rddreg [dreg:$0x14];
	s12 =	sshrl.u32 s17, $0x3  }
0x152: {  	[hbm:s22], [sflag:s7] =	dma.local [spmem:s12], $0x2800  }
0x153: {  	_ =	swait.ge [sflag:s24], $0x2800  }
0x154: {  	s25 =	sld [smem:$0x7FB];
	_ =	sdelay $0x2  }
0x155: {  	s30 =	rddreg [dreg:$0x15];
	s6 =	sadd.s32 $0x1, s25  }
0x156: {  	p0 =	sne.s32 s6, s30  }
.Ltmp3:
0x157: {  	_ = 	snop;
	(pc) =	sbr.rel @p0 .LBB2_1-.Ltmp3, $3  }
0x158: {  	_ =	sdelay $0x1  }
0x159: {  	[sflag:s24] =	ssyncset.done $0x0  }
0x15a: {  	[sflag:s24] =	ssyncadd.s32 $0xFFFFD800  }
0x15b: {  	_ =	sfence.sel $0x180000  }
0x15c: {  	[bflag:$0x0] =	sbarrier.arrive $0xFFFF  }
0x15d: {  	_ =	strace $0x90000047  }
0x15e: {  	s0 =	stileid.u32;
	[bflag:$0x2] =	sbarrier.arrive $0xFFFF  }
0x15f: {  	p0 =	sne.s32 s0, $0x0;
	s0 =	rddreg [dreg:$0x3]  }
0x160: {  	s0 =	sadd.s32 @!p0 $0x100000, s0  }
0x161: {  	[sflag:s0] =	ssyncadd.tile.s32 @!p0 $0x1;
	_ =	shalt  }
.Lfunc_end2:
_tile_overlayer_lowered:
.L_overlay_start_2:
0x162: {  	(tag) =	ssettag $0x2  }
0x163: {  	s0 =	rddreg [dreg:$0x0];
	s2 =	stileid.u32  }
0x164: {  	s1 =	rddreg [dreg:$0x1];
	p0 =	sne.s32 s2, $0x0  }
0x165: {  	s3 =	rddreg [dreg:$0x2];
	[bflag:$0x3] =	sbarrier.arrive $0xFFFF;
	s2 =	simm.s32 @!p0 $0x1C09  }
0x166: {  	[timem:s3], [sflag:s2] =	dma.local @!p0 [hbm:s0], s1  }
0x167: {  	s0 =	simm.s32 @!p0 $0x9  }
0x168: {  	_ =	swait.ge @!p0 [sflag:s0], s1  }
0x169: {  	s1 =	ssub.s32 @!p0 $0x0, s1;
	[sflag:s0] =	ssyncset.done @!p0 $0x0  }
0x16a: {  	[sflag:s0] =	ssyncadd.s32 @!p0 s1  }
0x16b: {  	[bflag:$0x3] =	sbarrier.arrive $0xFFFF  }
0x16c: {  	_ =	shalt  }

</sc_bundles>
